<compile_context>
chip_gen: v7x
topology: tpu7x:2x2x1
jax: 0.10.2.dev20260603
libtpu: 0.0.44.dev20260713+nightly
codegen_flags: <defaults>
</compile_context>

<pallas_src>
import functools
import math

import jax
import jax.numpy as jnp
import numpy as np
from jax import lax
from jax.experimental import pallas as pl
from jax.experimental.pallas import tpu as pltpu
from jax.experimental.pallas import tpu_sc as plsc

_EPS = 1e-12


def _pe_table(max_len, n_filters):
    position = np.arange(0, max_len).astype(np.float32)[:, None]
    div_term = np.exp(
        np.arange(0, n_filters, 2).astype(np.float32) * -(math.log(10000.0) / n_filters)
    )
    pe = np.zeros((max_len, n_filters), dtype=np.float32)
    pe[:, 0::2] = np.sin(position * div_term)
    pe[:, 1::2] = np.cos(position * div_term)
    return jnp.asarray(pe)


def _ln(x, w, b):
    n = x.shape[-1]
    u = jnp.sum(x, axis=-1, keepdims=True) / n
    s2 = jnp.sum(x * x, axis=-1, keepdims=True) / n
    r = lax.rsqrt(jnp.maximum(s2 - u * u, 0.0) + _EPS)
    return (x - u) * r * w + b



_NW = 32
_CHUNK = 80


_NBUF = 3


def _make_sc_gather(num_rows, d):
    bpw = num_rows // _NW
    nrounds = bpw // _CHUNK
    mesh = plsc.VectorSubcoreMesh(core_axis_name="c", subcore_axis_name="s")

    @functools.partial(
        pl.kernel,
        mesh=mesh,
        out_type=(
            jax.ShapeDtypeStruct((num_rows, 256), jnp.float32),
            jax.ShapeDtypeStruct((num_rows, 128), jnp.float32),
        ),
        scratch_types=[
            pltpu.VMEM((8, _CHUNK), jnp.int32),
            pltpu.VMEM((_NBUF, _CHUNK, 256), jnp.float32),
            pltpu.VMEM((_NBUF, _CHUNK, 128), jnp.float32),
            pltpu.SemaphoreType.DMA,
            *([pltpu.SemaphoreType.DMA] * _NBUF),
            *([pltpu.SemaphoreType.DMA] * _NBUF),
        ],
    )
    def gather_kernel(table_hbm, tail_hbm, idx_hbm, o01, o2, idx_v, bufA,
                      bufB, isem, *sems):
        gsems, wsems = sems[:_NBUF], sems[_NBUF:]
        wid = lax.axis_index("s") * 2 + lax.axis_index("c")
        base = wid * bpw
        pltpu.async_copy(idx_hbm.at[wid], idx_v, isem).wait()
        gathers = [None] * nrounds
        writes = [None] * nrounds
        for r in range(nrounds):
            b = r % _NBUF
            if r >= _NBUF:
                for w in writes[r - _NBUF]:
                    w.wait()
            gathers[r] = [
                pltpu.async_copy(
                    table_hbm.at[idx_v.at[r], pl.ds(0, 256)],
                    bufA.at[b], gsems[b]),
                pltpu.async_copy(
                    tail_hbm.at[idx_v.at[r]],
                    bufB.at[b], gsems[b]),
            ]
            if r >= _NBUF - 1:
                rw = r - _NBUF + 1
                bw = rw % _NBUF
                for g in gathers[rw]:
                    g.wait()
                writes[rw] = [
                    pltpu.async_copy(
                        bufA.at[bw],
                        o01.at[pl.ds(base + rw * _CHUNK, _CHUNK)], wsems[bw]),
                    pltpu.async_copy(
                        bufB.at[bw],
                        o2.at[pl.ds(base + rw * _CHUNK, _CHUNK)], wsems[bw]),
                ]
        for rw in range(nrounds - _NBUF + 1, nrounds):
            bw = rw % _NBUF
            for g in gathers[rw]:
                g.wait()
            writes[rw] = [
                pltpu.async_copy(
                    bufA.at[bw],
                    o01.at[pl.ds(base + rw * _CHUNK, _CHUNK)], wsems[bw]),
                pltpu.async_copy(
                    bufB.at[bw],
                    o2.at[pl.ds(base + rw * _CHUNK, _CHUNK)], wsems[bw]),
            ]
        for rw in range(max(0, nrounds - _NBUF), nrounds):
            for w in writes[rw]:
                w.wait()

    return gather_kernel



def _pad_tail(word_emb):
    v, wvec = word_emb.shape
    valid = wvec - 256
    blk = 2000

    def body(in_ref, out_ref):
        x = in_ref[...]
        lane = lax.broadcasted_iota(jnp.int32, x.shape, 1)
        out_ref[...] = jnp.where(lane < valid, x, 0.0)

    return pl.pallas_call(
        body,
        grid=(v // blk,),
        in_specs=[pl.BlockSpec((blk, 128), lambda i: (i, 2))],
        out_specs=pl.BlockSpec((blk, 128), lambda i: (i, 0)),
        out_shape=jax.ShapeDtypeStruct((v, 128), jnp.float32),
    )(word_emb)


def _branch(x_pieces, n, mm, c1, c2, ln2w, ln2b):
    s1 = sum(jnp.sum(p, axis=-1, keepdims=True) for p in x_pieces)
    s2 = sum(jnp.sum(p * p, axis=-1, keepdims=True) for p in x_pieces)
    u = s1 / n
    r = lax.rsqrt(jnp.maximum(s2 / n - u * u, 0.0) + _EPS)
    h = jnp.maximum(r * mm - (r * u) * c1 + c2, 0.0)
    return _ln(h, ln2w, ln2b)


def _tc_body(p01_ref, p2_ref, vf_ref, ttf_ref, wW01, wW2, wc1, wc2,
             wln2w, wln2b, vW, vc1, vc2, vln2w, vln2b,
             tok_ref, pe_ref, olnw, olnb, out_ref):
    p01 = p01_ref[...]
    p2 = p2_ref[...]
    mm_w = (
        jnp.dot(p01.astype(jnp.bfloat16), wW01[...],
                preferred_element_type=jnp.float32)
        + jnp.dot(p2.astype(jnp.bfloat16), wW2[...],
                  preferred_element_type=jnp.float32))
    we = _branch((p01, p2), 300, mm_w, wc1[...], wc2[...],
                 wln2w[...], wln2b[...])

    vf = vf_ref[...]
    mm_v = jnp.dot(vf.astype(jnp.bfloat16), vW[...],
                   preferred_element_type=jnp.float32)
    ve = _branch((vf,), vf.shape[-1], mm_v, vc1[...], vc2[...],
                 vln2w[...], vln2b[...])

    ttf = ttf_ref[...]
    tok = tok_ref[...]
    te = ttf * tok[1:2, :] + (1.0 - ttf) * tok[0:1, :]

    emb = we + ve + te + pe_ref[...]
    out_ref[...] = _ln(emb, olnw[...], olnb[...])


def _fused_tc(p01, p2, vf, ttf, w_ln1_w, w_ln1_b, w_fc_W, w_fc_b, w_ln2_w,
              w_ln2_b, v_ln1_w, v_ln1_b, v_fc_W, v_fc_b, v_ln2_w, v_ln2_b,
              tok_emb, pe, out_ln_w, out_ln_b, *, interpret=False):
    rows = p01.shape[0]
    wvec = w_fc_W.shape[0]
    vfeat = vf.shape[-1]
    hidden = v_fc_W.shape[-1]
    blk = pe.shape[0]
    grid = (rows // blk,)

    wW = w_fc_W * w_ln1_w[:, None]
    wW01 = wW[:256].astype(jnp.bfloat16)
    wW2 = jnp.pad(wW[256:], ((0, 128 - (wvec - 256)), (0, 0))).astype(
        jnp.bfloat16)
    wc1 = jnp.sum(wW, axis=0).reshape(1, -1)
    wc2 = (w_ln1_b @ w_fc_W + w_fc_b).reshape(1, -1)
    vW = (v_fc_W * v_ln1_w[:, None]).astype(jnp.bfloat16)
    vc1 = jnp.sum(v_fc_W * v_ln1_w[:, None], axis=0).reshape(1, -1)
    vc2 = (v_ln1_b @ v_fc_W + v_fc_b).reshape(1, -1)

    def row_blk(shape):
        return pl.BlockSpec(shape, lambda i: (i, 0))

    def whole(shape):
        return pl.BlockSpec(shape, lambda i: (0, 0))

    in_specs = [
        row_blk((blk, 256)),
        row_blk((blk, 128)),
        row_blk((blk, vfeat)),
        row_blk((blk, 1)),
        whole((256, hidden)), whole((128, hidden)),
        whole((1, hidden)), whole((1, hidden)),
        whole((1, hidden)), whole((1, hidden)),
        whole((vfeat, hidden)),
        whole((1, hidden)), whole((1, hidden)),
        whole((1, hidden)), whole((1, hidden)),
        whole((2, hidden)),
        whole((blk, hidden)),
        whole((1, hidden)), whole((1, hidden)),
    ]
    return pl.pallas_call(
        _tc_body,
        grid=grid,
        in_specs=in_specs,
        out_specs=row_blk((blk, hidden)),
        out_shape=jax.ShapeDtypeStruct((rows, hidden), jnp.float32),
        interpret=interpret,
    )(p01, p2, vf, ttf,
      wW01, wW2, wc1, wc2,
      w_ln2_w.reshape(1, -1), w_ln2_b.reshape(1, -1),
      vW, vc1, vc2,
      v_ln2_w.reshape(1, -1), v_ln2_b.reshape(1, -1),
      tok_emb, pe, out_ln_w.reshape(1, -1), out_ln_b.reshape(1, -1))


def kernel(input_ids, video_features, token_type_ids, word_emb, w_ln1_w,
           w_ln1_b, w_fc_W, w_fc_b, w_ln2_w, w_ln2_b, v_ln1_w, v_ln1_b,
           v_fc_W, v_fc_b, v_ln2_w, v_ln2_b, tok_emb, out_ln_w, out_ln_b):
    B, L = input_ids.shape
    rows = B * L
    wvec = word_emb.shape[-1]
    vfeat = video_features.shape[-1]
    hidden = tok_emb.shape[-1]

    nrounds = rows // _NW // _CHUNK
    idx = jnp.pad(
        input_ids.reshape(_NW, nrounds, _CHUNK).astype(jnp.int32),
        ((0, 0), (0, 8 - nrounds), (0, 0)))
    tail = _pad_tail(word_emb)
    p01, p2 = _make_sc_gather(rows, wvec)(word_emb, tail, idx)

    vf = video_features.reshape(rows, vfeat)
    ttf = token_type_ids.reshape(rows, 1).astype(jnp.float32)
    pe = _pe_table(L, hidden)

    out = _fused_tc(p01, p2, vf, ttf, w_ln1_w, w_ln1_b, w_fc_W, w_fc_b,
                    w_ln2_w, w_ln2_b, v_ln1_w, v_ln1_b, v_fc_W, v_fc_b,
                    v_ln2_w, v_ln2_b, tok_emb, pe, out_ln_w, out_ln_b)
    return out.reshape(B, L, hidden)

# --- scband reference (transcript-rebuilt; emitter-appended) ---
"""Pipeline reference for scband-bert-embeddings-with-video-23948737642715 (READ-ONLY COPY).

The authoritative reference and input builder live on the scoring server;
editing this copy changes nothing except your own understanding.
"""

import math
import jax, jax.numpy as jnp
import numpy as np

EPS = 1e-12


def bert_ln(x, w, b, eps=EPS):
    u = x.mean(-1, keepdims=True)
    s = ((x - u) ** 2).mean(-1, keepdims=True)
    x = (x - u) / jnp.sqrt(s + eps)
    return w * x + b


def pe_table(max_len, n_filters):
    position = np.arange(0, max_len).astype(np.float32)[:, None]
    div_term = np.exp(np.arange(0, n_filters, 2).astype(np.float32) * -(math.log(10000.0) / n_filters))
    pe = np.zeros((max_len, n_filters), dtype=np.float32)
    pe[:, 0::2] = np.sin(position * div_term)
    pe[:, 1::2] = np.cos(position * div_term)
    return jnp.asarray(pe)


def setup_inputs(seed: int = 0) -> dict:
    key = jax.random.key(seed)
    ks = jax.random.split(key, 12)
    B, L = 64, 200
    vocab, wvec, hidden, vfeat, tvocab = 100000, 300, 768, 2048, 2
    input_ids = jax.random.randint(ks[0], (B, L), 0, vocab, dtype=jnp.int64)
    token_type_ids = jax.random.randint(ks[1], (B, L), 0, tvocab, dtype=jnp.int64)
    video_features = jax.random.normal(ks[2], (B, L, vfeat), dtype=jnp.float32)
    word_emb = (jax.random.normal(ks[3], (vocab, wvec), dtype=jnp.float32) * 0.02).at[0].set(0.0)
    tok_emb = jax.random.normal(ks[4], (tvocab, hidden), dtype=jnp.float32) * 0.02
    w_fc_W = jax.random.normal(ks[5], (wvec, hidden), dtype=jnp.float32) * (1.0 / math.sqrt(wvec))
    w_fc_b = jnp.zeros((hidden,), dtype=jnp.float32)
    v_fc_W = jax.random.normal(ks[6], (vfeat, hidden), dtype=jnp.float32) * (1.0 / math.sqrt(vfeat))
    v_fc_b = jnp.zeros((hidden,), dtype=jnp.float32)
    return {
        'input_ids': input_ids,
        'video_features': video_features,
        'token_type_ids': token_type_ids,
        'word_emb': word_emb,
        'w_ln1_w': jnp.ones((wvec,), jnp.float32), 'w_ln1_b': jnp.zeros((wvec,), jnp.float32),
        'w_fc_W': w_fc_W, 'w_fc_b': w_fc_b,
        'w_ln2_w': jnp.ones((hidden,), jnp.float32), 'w_ln2_b': jnp.zeros((hidden,), jnp.float32),
        'v_ln1_w': jnp.ones((vfeat,), jnp.float32), 'v_ln1_b': jnp.zeros((vfeat,), jnp.float32),
        'v_fc_W': v_fc_W, 'v_fc_b': v_fc_b,
        'v_ln2_w': jnp.ones((hidden,), jnp.float32), 'v_ln2_b': jnp.zeros((hidden,), jnp.float32),
        'tok_emb': tok_emb,
        'out_ln_w': jnp.ones((hidden,), jnp.float32), 'out_ln_b': jnp.zeros((hidden,), jnp.float32),
    }


def reference(input_ids, video_features, token_type_ids, word_emb, w_ln1_w, w_ln1_b, w_fc_W, w_fc_b, w_ln2_w, w_ln2_b, v_ln1_w, v_ln1_b, v_fc_W, v_fc_b, v_ln2_w, v_ln2_b, tok_emb, out_ln_w, out_ln_b):
    # word branch: embedding lookup -> LN -> Linear -> ReLU -> LN (dropout = eval/no-op)
    we = jnp.take(word_emb, input_ids, axis=0)
    we = bert_ln(we, w_ln1_w, w_ln1_b)
    we = jax.nn.relu(we @ w_fc_W + w_fc_b)
    we = bert_ln(we, w_ln2_w, w_ln2_b)
    # video branch: LN -> Linear -> ReLU -> LN
    ve = bert_ln(video_features, v_ln1_w, v_ln1_b)
    ve = jax.nn.relu(ve @ v_fc_W + v_fc_b)
    ve = bert_ln(ve, v_ln2_w, v_ln2_b)
    # token type embedding lookup
    te = jnp.take(tok_emb, token_type_ids, axis=0)
    emb = we + ve + te
    L, D = emb.shape[-2], emb.shape[-1]
    emb = emb + pe_table(L, D)
    emb = bert_ln(emb, out_ln_w, out_ln_b)
    return emb

if __name__ == "__main__":
    import jax
    _d = setup_inputs()
    print(jax.jit(kernel)(*tuple(_d.values())))

</pallas_src>

<mosaic_0001>
#map = affine_map<(d0, d1) -> (0, 0)>
#map1 = affine_map<(d0, d1) -> (0, 0, 0)>
module attributes {stable_mosaic.version = 14 : i64} {
  func.func @gather_kernel(%arg0: i32, %arg1: i32, %arg2: memref<100000x300xf32, #tpu.memory_space<hbm>>, %arg3: memref<100000x128xf32, #tpu.memory_space<hbm>>, %arg4: memref<32x8x80xi32, #tpu.memory_space<hbm>>, %arg5: memref<12800x256xf32, #tpu.memory_space<hbm>>, %arg6: memref<12800x128xf32, #tpu.memory_space<hbm>>, %arg7: memref<8x80xi32, #tpu.memory_space<vmem>>, %arg8: memref<3x80x256xf32, #tpu.memory_space<vmem>>, %arg9: memref<3x80x128xf32, #tpu.memory_space<vmem>>, %arg10: memref<!tpu.dma_semaphore, #tpu.memory_space<semaphore_mem>>, %arg11: memref<!tpu.dma_semaphore, #tpu.memory_space<semaphore_mem>>, %arg12: memref<!tpu.dma_semaphore, #tpu.memory_space<semaphore_mem>>, %arg13: memref<!tpu.dma_semaphore, #tpu.memory_space<semaphore_mem>>, %arg14: memref<!tpu.dma_semaphore, #tpu.memory_space<semaphore_mem>>, %arg15: memref<!tpu.dma_semaphore, #tpu.memory_space<semaphore_mem>>, %arg16: memref<!tpu.dma_semaphore, #tpu.memory_space<semaphore_mem>>) attributes {dimension_semantics = [#tpu.dimension_semantics<core_parallel>, #tpu.dimension_semantics<subcore_parallel>], iteration_bounds = array<i64: 2, 16>, scalar_prefetch = 0 : i64, scratch_operands = 10 : i64, tpu.core_type = #tpu.core_type<sc_vector_subcore>, window_params = [{transform_indices = #map}, {transform_indices = #map}, {transform_indices = #map1}, {transform_indices = #map}, {transform_indices = #map}]} {
    %mul3A = arith.constant 2 : i32
    %mul3A_0 = arith.muli %arg1, %mul3A : i32
    %add3A = arith.addi %mul3A_0, %arg0 : i32
    %mul3A_1 = arith.constant 400 : i32
    %mul3A_2 = arith.muli %add3A, %mul3A_1 : i32
    %dma_start3A = arith.constant 0 : i32
    %dma_start3A_3 = arith.constant 0 : i32
    %dma_start3A_4 = tpu.memref_slice %arg4[%add3A, %dma_start3A, %dma_start3A_3] : memref<32x8x80xi32, #tpu.memory_space<hbm>> -> memref<1x8x80xi32, #tpu.memory_space<hbm>>
    %dma_start3A_5 = tpu.memref_squeeze %dma_start3A_4 : memref<1x8x80xi32, #tpu.memory_space<hbm>> -> memref<8x80xi32, #tpu.memory_space<hbm>>
    %dma_start3A_6 = arith.constant 0 : i32
    %dma_start3A_7 = arith.constant 0 : i32
    %dma_start3A_8 = tpu.memref_slice %arg4[%add3A, %dma_start3A_6, %dma_start3A_7] : memref<32x8x80xi32, #tpu.memory_space<hbm>> -> memref<1x8x80xi32, #tpu.memory_space<hbm>>
    %dma_start3A_9 = tpu.memref_squeeze %dma_start3A_8 : memref<1x8x80xi32, #tpu.memory_space<hbm>> -> memref<8x80xi32, #tpu.memory_space<hbm>>
    tpu.enqueue_dma source(%dma_start3A_9 : memref<8x80xi32, #tpu.memory_space<hbm>>) target(%arg7 : memref<8x80xi32, #tpu.memory_space<vmem>>) target_semaphore(%arg10 : memref<!tpu.dma_semaphore, #tpu.memory_space<semaphore_mem>>)
    %dma_wait3A = arith.constant 0 : i32
    %dma_wait3A_10 = arith.constant 0 : i32
    %dma_wait3A_11 = tpu.memref_slice %arg4[%add3A, %dma_wait3A, %dma_wait3A_10] : memref<32x8x80xi32, #tpu.memory_space<hbm>> -> memref<1x8x80xi32, #tpu.memory_space<hbm>>
    %dma_wait3A_12 = tpu.memref_squeeze %dma_wait3A_11 : memref<1x8x80xi32, #tpu.memory_space<hbm>> -> memref<8x80xi32, #tpu.memory_space<hbm>>
    %dma_wait3A_13 = arith.constant 0 : i32
    %dma_wait3A_14 = arith.constant 0 : i32
    %dma_wait3A_15 = tpu.memref_slice %arg4[%add3A, %dma_wait3A_13, %dma_wait3A_14] : memref<32x8x80xi32, #tpu.memory_space<hbm>> -> memref<1x8x80xi32, #tpu.memory_space<hbm>>
    %dma_wait3A_16 = tpu.memref_squeeze %dma_wait3A_15 : memref<1x8x80xi32, #tpu.memory_space<hbm>> -> memref<8x80xi32, #tpu.memory_space<hbm>>
    tpu.wait_dma2 semaphore(%arg10 : memref<!tpu.dma_semaphore, #tpu.memory_space<semaphore_mem>>) src(%dma_wait3A_16 : memref<8x80xi32, #tpu.memory_space<hbm>>) dst(%arg7 : memref<8x80xi32, #tpu.memory_space<vmem>>)
    %dma_start3A_17 = arith.constant 0 : i32
    %dma_start3A_18 = arith.constant 0 : i32
    %dma_start3A_19 = arith.constant 0 : i32
    %dma_start3A_20 = arith.constant 0 : i32
    %dma_start3A_21 = tpu.memref_slice %arg8[%dma_start3A_18, %dma_start3A_19, %dma_start3A_20] : memref<3x80x256xf32, #tpu.memory_space<vmem>> -> memref<1x80x256xf32, #tpu.memory_space<vmem>>
    %dma_start3A_22 = tpu.memref_squeeze %dma_start3A_21 : memref<1x80x256xf32, #tpu.memory_space<vmem>> -> memref<80x256xf32, #tpu.memory_space<vmem>>
    %dma_start3A_23 = arith.constant 0 : i32
    %dma_start3A_24 = tpu.memref_slice %arg7[%dma_start3A_17, %dma_start3A_23] : memref<8x80xi32, #tpu.memory_space<vmem>> -> memref<1x80xi32, #tpu.memory_space<vmem>>
    %dma_start3A_25 = tpu.memref_squeeze %dma_start3A_24 : memref<1x80xi32, #tpu.memory_space<vmem>> -> memref<80xi32, #tpu.memory_space<vmem>>
    %dma_start3A_26 = arith.constant 0 : i32
    %dma_start3A_27 = arith.constant 0 : i32
    %dma_start3A_28 = tpu.memref_slice %arg2[%dma_start3A_26, %dma_start3A_27] : memref<100000x300xf32, #tpu.memory_space<hbm>> -> memref<100000x256xf32, #tpu.memory_space<hbm>>
    tpu.enqueue_indirect_dma source(%dma_start3A_28 : memref<100000x256xf32, #tpu.memory_space<hbm>>) target(%dma_start3A_22 : memref<80x256xf32, #tpu.memory_space<vmem>>) offsets(%dma_start3A_25 : memref<80xi32, #tpu.memory_space<vmem>>) semaphore(%arg11 : memref<!tpu.dma_semaphore, #tpu.memory_space<semaphore_mem>>)
    %dma_start3A_29 = arith.constant 0 : i32
    %dma_start3A_30 = arith.constant 0 : i32
    %dma_start3A_31 = arith.constant 0 : i32
    %dma_start3A_32 = arith.constant 0 : i32
    %dma_start3A_33 = tpu.memref_slice %arg9[%dma_start3A_30, %dma_start3A_31, %dma_start3A_32] : memref<3x80x128xf32, #tpu.memory_space<vmem>> -> memref<1x80x128xf32, #tpu.memory_space<vmem>>
    %dma_start3A_34 = tpu.memref_squeeze %dma_start3A_33 : memref<1x80x128xf32, #tpu.memory_space<vmem>> -> memref<80x128xf32, #tpu.memory_space<vmem>>
    %dma_start3A_35 = arith.constant 0 : i32
    %dma_start3A_36 = tpu.memref_slice %arg7[%dma_start3A_29, %dma_start3A_35] : memref<8x80xi32, #tpu.memory_space<vmem>> -> memref<1x80xi32, #tpu.memory_space<vmem>>
    %dma_start3A_37 = tpu.memref_squeeze %dma_start3A_36 : memref<1x80xi32, #tpu.memory_space<vmem>> -> memref<80xi32, #tpu.memory_space<vmem>>
    %dma_start3A_38 = arith.constant 0 : i32
    %dma_start3A_39 = arith.constant 0 : i32
    %dma_start3A_40 = tpu.memref_slice %arg3[%dma_start3A_38, %dma_start3A_39] : memref<100000x128xf32, #tpu.memory_space<hbm>> -> memref<100000x128xf32, #tpu.memory_space<hbm>>
    tpu.enqueue_indirect_dma source(%dma_start3A_40 : memref<100000x128xf32, #tpu.memory_space<hbm>>) target(%dma_start3A_34 : memref<80x128xf32, #tpu.memory_space<vmem>>) offsets(%dma_start3A_37 : memref<80xi32, #tpu.memory_space<vmem>>) semaphore(%arg11 : memref<!tpu.dma_semaphore, #tpu.memory_space<semaphore_mem>>)
    %dma_start3A_41 = arith.constant 1 : i32
    %dma_start3A_42 = arith.constant 1 : i32
    %dma_start3A_43 = arith.constant 0 : i32
    %dma_start3A_44 = arith.constant 0 : i32
    %dma_start3A_45 = tpu.memref_slice %arg8[%dma_start3A_42, %dma_start3A_43, %dma_start3A_44] : memref<3x80x256xf32, #tpu.memory_space<vmem>> -> memref<1x80x256xf32, #tpu.memory_space<vmem>>
    %dma_start3A_46 = tpu.memref_squeeze %dma_start3A_45 : memref<1x80x256xf32, #tpu.memory_space<vmem>> -> memref<80x256xf32, #tpu.memory_space<vmem>>
    %dma_start3A_47 = arith.constant 0 : i32
    %dma_start3A_48 = tpu.memref_slice %arg7[%dma_start3A_41, %dma_start3A_47] : memref<8x80xi32, #tpu.memory_space<vmem>> -> memref<1x80xi32, #tpu.memory_space<vmem>>
    %dma_start3A_49 = tpu.memref_squeeze %dma_start3A_48 : memref<1x80xi32, #tpu.memory_space<vmem>> -> memref<80xi32, #tpu.memory_space<vmem>>
    %dma_start3A_50 = arith.constant 0 : i32
    %dma_start3A_51 = arith.constant 0 : i32
    %dma_start3A_52 = tpu.memref_slice %arg2[%dma_start3A_50, %dma_start3A_51] : memref<100000x300xf32, #tpu.memory_space<hbm>> -> memref<100000x256xf32, #tpu.memory_space<hbm>>
    tpu.enqueue_indirect_dma source(%dma_start3A_52 : memref<100000x256xf32, #tpu.memory_space<hbm>>) target(%dma_start3A_46 : memref<80x256xf32, #tpu.memory_space<vmem>>) offsets(%dma_start3A_49 : memref<80xi32, #tpu.memory_space<vmem>>) semaphore(%arg12 : memref<!tpu.dma_semaphore, #tpu.memory_space<semaphore_mem>>)
    %dma_start3A_53 = arith.constant 1 : i32
    %dma_start3A_54 = arith.constant 1 : i32
    %dma_start3A_55 = arith.constant 0 : i32
    %dma_start3A_56 = arith.constant 0 : i32
    %dma_start3A_57 = tpu.memref_slice %arg9[%dma_start3A_54, %dma_start3A_55, %dma_start3A_56] : memref<3x80x128xf32, #tpu.memory_space<vmem>> -> memref<1x80x128xf32, #tpu.memory_space<vmem>>
    %dma_start3A_58 = tpu.memref_squeeze %dma_start3A_57 : memref<1x80x128xf32, #tpu.memory_space<vmem>> -> memref<80x128xf32, #tpu.memory_space<vmem>>
    %dma_start3A_59 = arith.constant 0 : i32
    %dma_start3A_60 = tpu.memref_slice %arg7[%dma_start3A_53, %dma_start3A_59] : memref<8x80xi32, #tpu.memory_space<vmem>> -> memref<1x80xi32, #tpu.memory_space<vmem>>
    %dma_start3A_61 = tpu.memref_squeeze %dma_start3A_60 : memref<1x80xi32, #tpu.memory_space<vmem>> -> memref<80xi32, #tpu.memory_space<vmem>>
    %dma_start3A_62 = arith.constant 0 : i32
    %dma_start3A_63 = arith.constant 0 : i32
    %dma_start3A_64 = tpu.memref_slice %arg3[%dma_start3A_62, %dma_start3A_63] : memref<100000x128xf32, #tpu.memory_space<hbm>> -> memref<100000x128xf32, #tpu.memory_space<hbm>>
    tpu.enqueue_indirect_dma source(%dma_start3A_64 : memref<100000x128xf32, #tpu.memory_space<hbm>>) target(%dma_start3A_58 : memref<80x128xf32, #tpu.memory_space<vmem>>) offsets(%dma_start3A_61 : memref<80xi32, #tpu.memory_space<vmem>>) semaphore(%arg12 : memref<!tpu.dma_semaphore, #tpu.memory_space<semaphore_mem>>)
    %dma_start3A_65 = arith.constant 2 : i32
    %dma_start3A_66 = arith.constant 2 : i32
    %dma_start3A_67 = arith.constant 0 : i32
    %dma_start3A_68 = arith.constant 0 : i32
    %dma_start3A_69 = tpu.memref_slice %arg8[%dma_start3A_66, %dma_start3A_67, %dma_start3A_68] : memref<3x80x256xf32, #tpu.memory_space<vmem>> -> memref<1x80x256xf32, #tpu.memory_space<vmem>>
    %dma_start3A_70 = tpu.memref_squeeze %dma_start3A_69 : memref<1x80x256xf32, #tpu.memory_space<vmem>> -> memref<80x256xf32, #tpu.memory_space<vmem>>
    %dma_start3A_71 = arith.constant 0 : i32
    %dma_start3A_72 = tpu.memref_slice %arg7[%dma_start3A_65, %dma_start3A_71] : memref<8x80xi32, #tpu.memory_space<vmem>> -> memref<1x80xi32, #tpu.memory_space<vmem>>
    %dma_start3A_73 = tpu.memref_squeeze %dma_start3A_72 : memref<1x80xi32, #tpu.memory_space<vmem>> -> memref<80xi32, #tpu.memory_space<vmem>>
    %dma_start3A_74 = arith.constant 0 : i32
    %dma_start3A_75 = arith.constant 0 : i32
    %dma_start3A_76 = tpu.memref_slice %arg2[%dma_start3A_74, %dma_start3A_75] : memref<100000x300xf32, #tpu.memory_space<hbm>> -> memref<100000x256xf32, #tpu.memory_space<hbm>>
    tpu.enqueue_indirect_dma source(%dma_start3A_76 : memref<100000x256xf32, #tpu.memory_space<hbm>>) target(%dma_start3A_70 : memref<80x256xf32, #tpu.memory_space<vmem>>) offsets(%dma_start3A_73 : memref<80xi32, #tpu.memory_space<vmem>>) semaphore(%arg13 : memref<!tpu.dma_semaphore, #tpu.memory_space<semaphore_mem>>)
    %dma_start3A_77 = arith.constant 2 : i32
    %dma_start3A_78 = arith.constant 2 : i32
    %dma_start3A_79 = arith.constant 0 : i32
    %dma_start3A_80 = arith.constant 0 : i32
    %dma_start3A_81 = tpu.memref_slice %arg9[%dma_start3A_78, %dma_start3A_79, %dma_start3A_80] : memref<3x80x128xf32, #tpu.memory_space<vmem>> -> memref<1x80x128xf32, #tpu.memory_space<vmem>>
    %dma_start3A_82 = tpu.memref_squeeze %dma_start3A_81 : memref<1x80x128xf32, #tpu.memory_space<vmem>> -> memref<80x128xf32, #tpu.memory_space<vmem>>
    %dma_start3A_83 = arith.constant 0 : i32
    %dma_start3A_84 = tpu.memref_slice %arg7[%dma_start3A_77, %dma_start3A_83] : memref<8x80xi32, #tpu.memory_space<vmem>> -> memref<1x80xi32, #tpu.memory_space<vmem>>
    %dma_start3A_85 = tpu.memref_squeeze %dma_start3A_84 : memref<1x80xi32, #tpu.memory_space<vmem>> -> memref<80xi32, #tpu.memory_space<vmem>>
    %dma_start3A_86 = arith.constant 0 : i32
    %dma_start3A_87 = arith.constant 0 : i32
    %dma_start3A_88 = tpu.memref_slice %arg3[%dma_start3A_86, %dma_start3A_87] : memref<100000x128xf32, #tpu.memory_space<hbm>> -> memref<100000x128xf32, #tpu.memory_space<hbm>>
    tpu.enqueue_indirect_dma source(%dma_start3A_88 : memref<100000x128xf32, #tpu.memory_space<hbm>>) target(%dma_start3A_82 : memref<80x128xf32, #tpu.memory_space<vmem>>) offsets(%dma_start3A_85 : memref<80xi32, #tpu.memory_space<vmem>>) semaphore(%arg13 : memref<!tpu.dma_semaphore, #tpu.memory_space<semaphore_mem>>)
    %dma_wait3A_89 = arith.constant 0 : i32
    %dma_wait3A_90 = arith.constant 0 : i32
    %dma_wait3A_91 = arith.constant 0 : i32
    %dma_wait3A_92 = arith.constant 0 : i32
    %dma_wait3A_93 = tpu.memref_slice %arg8[%dma_wait3A_90, %dma_wait3A_91, %dma_wait3A_92] : memref<3x80x256xf32, #tpu.memory_space<vmem>> -> memref<1x80x256xf32, #tpu.memory_space<vmem>>
    %dma_wait3A_94 = tpu.memref_squeeze %dma_wait3A_93 : memref<1x80x256xf32, #tpu.memory_space<vmem>> -> memref<80x256xf32, #tpu.memory_space<vmem>>
    %dma_wait3A_95 = arith.constant 0 : i32
    %dma_wait3A_96 = tpu.memref_slice %arg7[%dma_wait3A_89, %dma_wait3A_95] : memref<8x80xi32, #tpu.memory_space<vmem>> -> memref<1x80xi32, #tpu.memory_space<vmem>>
    %dma_wait3A_97 = tpu.memref_squeeze %dma_wait3A_96 : memref<1x80xi32, #tpu.memory_space<vmem>> -> memref<80xi32, #tpu.memory_space<vmem>>
    %dma_wait3A_98 = arith.constant 0 : i32
    %dma_wait3A_99 = arith.constant 0 : i32
    %dma_wait3A_100 = tpu.memref_slice %arg2[%dma_wait3A_98, %dma_wait3A_99] : memref<100000x300xf32, #tpu.memory_space<hbm>> -> memref<100000x256xf32, #tpu.memory_space<hbm>>
    tpu.wait_indirect_dma semaphore(%arg11 : memref<!tpu.dma_semaphore, #tpu.memory_space<semaphore_mem>>) src(%dma_wait3A_100 : memref<100000x256xf32, #tpu.memory_space<hbm>>) dst(%dma_wait3A_94 : memref<80x256xf32, #tpu.memory_space<vmem>>)
    %dma_wait3A_101 = arith.constant 0 : i32
    %dma_wait3A_102 = arith.constant 0 : i32
    %dma_wait3A_103 = arith.constant 0 : i32
    %dma_wait3A_104 = arith.constant 0 : i32
    %dma_wait3A_105 = tpu.memref_slice %arg9[%dma_wait3A_102, %dma_wait3A_103, %dma_wait3A_104] : memref<3x80x128xf32, #tpu.memory_space<vmem>> -> memref<1x80x128xf32, #tpu.memory_space<vmem>>
    %dma_wait3A_106 = tpu.memref_squeeze %dma_wait3A_105 : memref<1x80x128xf32, #tpu.memory_space<vmem>> -> memref<80x128xf32, #tpu.memory_space<vmem>>
    %dma_wait3A_107 = arith.constant 0 : i32
    %dma_wait3A_108 = tpu.memref_slice %arg7[%dma_wait3A_101, %dma_wait3A_107] : memref<8x80xi32, #tpu.memory_space<vmem>> -> memref<1x80xi32, #tpu.memory_space<vmem>>
    %dma_wait3A_109 = tpu.memref_squeeze %dma_wait3A_108 : memref<1x80xi32, #tpu.memory_space<vmem>> -> memref<80xi32, #tpu.memory_space<vmem>>
    %dma_wait3A_110 = arith.constant 0 : i32
    %dma_wait3A_111 = arith.constant 0 : i32
    %dma_wait3A_112 = tpu.memref_slice %arg3[%dma_wait3A_110, %dma_wait3A_111] : memref<100000x128xf32, #tpu.memory_space<hbm>> -> memref<100000x128xf32, #tpu.memory_space<hbm>>
    tpu.wait_indirect_dma semaphore(%arg11 : memref<!tpu.dma_semaphore, #tpu.memory_space<semaphore_mem>>) src(%dma_wait3A_112 : memref<100000x128xf32, #tpu.memory_space<hbm>>) dst(%dma_wait3A_106 : memref<80x128xf32, #tpu.memory_space<vmem>>)
    %add3A_113 = arith.constant 0 : i32
    %add3A_114 = arith.addi %mul3A_2, %add3A_113 : i32
    %dma_start3A_115 = arith.constant 0 : i32
    %dma_start3A_116 = arith.constant 0 : i32
    %dma_start3A_117 = arith.constant 0 : i32
    %dma_start3A_118 = tpu.memref_slice %arg8[%dma_start3A_115, %dma_start3A_116, %dma_start3A_117] : memref<3x80x256xf32, #tpu.memory_space<vmem>> -> memref<1x80x256xf32, #tpu.memory_space<vmem>>
    %dma_start3A_119 = tpu.memref_squeeze %dma_start3A_118 : memref<1x80x256xf32, #tpu.memory_space<vmem>> -> memref<80x256xf32, #tpu.memory_space<vmem>>
    %dma_start3A_120 = arith.constant 0 : i32
    %dma_start3A_121 = tpu.memref_slice %arg5[%add3A_114, %dma_start3A_120] : memref<12800x256xf32, #tpu.memory_space<hbm>> -> memref<80x256xf32, #tpu.memory_space<hbm>>
    %dma_start3A_122 = arith.constant 0 : i32
    %dma_start3A_123 = tpu.memref_slice %arg5[%add3A_114, %dma_start3A_122] : memref<12800x256xf32, #tpu.memory_space<hbm>> -> memref<80x256xf32, #tpu.memory_space<hbm>>
    %dma_start3A_124 = arith.constant 0 : i32
    %dma_start3A_125 = arith.constant 0 : i32
    %dma_start3A_126 = tpu.memref_slice %arg8[%dma_start3A_115, %dma_start3A_124, %dma_start3A_125] : memref<3x80x256xf32, #tpu.memory_space<vmem>> -> memref<1x80x256xf32, #tpu.memory_space<vmem>>
    %dma_start3A_127 = tpu.memref_squeeze %dma_start3A_126 : memref<1x80x256xf32, #tpu.memory_space<vmem>> -> memref<80x256xf32, #tpu.memory_space<vmem>>
    tpu.enqueue_dma source(%dma_start3A_127 : memref<80x256xf32, #tpu.memory_space<vmem>>) target(%dma_start3A_123 : memref<80x256xf32, #tpu.memory_space<hbm>>) target_semaphore(%arg14 : memref<!tpu.dma_semaphore, #tpu.memory_space<semaphore_mem>>)
    %add3A_128 = arith.constant 0 : i32
    %add3A_129 = arith.addi %mul3A_2, %add3A_128 : i32
    %dma_start3A_130 = arith.constant 0 : i32
    %dma_start3A_131 = arith.constant 0 : i32
    %dma_start3A_132 = arith.constant 0 : i32
    %dma_start3A_133 = tpu.memref_slice %arg9[%dma_start3A_130, %dma_start3A_131, %dma_start3A_132] : memref<3x80x128xf32, #tpu.memory_space<vmem>> -> memref<1x80x128xf32, #tpu.memory_space<vmem>>
    %dma_start3A_134 = tpu.memref_squeeze %dma_start3A_133 : memref<1x80x128xf32, #tpu.memory_space<vmem>> -> memref<80x128xf32, #tpu.memory_space<vmem>>
    %dma_start3A_135 = arith.constant 0 : i32
    %dma_start3A_136 = tpu.memref_slice %arg6[%add3A_129, %dma_start3A_135] : memref<12800x128xf32, #tpu.memory_space<hbm>> -> memref<80x128xf32, #tpu.memory_space<hbm>>
    %dma_start3A_137 = arith.constant 0 : i32
    %dma_start3A_138 = tpu.memref_slice %arg6[%add3A_129, %dma_start3A_137] : memref<12800x128xf32, #tpu.memory_space<hbm>> -> memref<80x128xf32, #tpu.memory_space<hbm>>
    %dma_start3A_139 = arith.constant 0 : i32
    %dma_start3A_140 = arith.constant 0 : i32
    %dma_start3A_141 = tpu.memref_slice %arg9[%dma_start3A_130, %dma_start3A_139, %dma_start3A_140] : memref<3x80x128xf32, #tpu.memory_space<vmem>> -> memref<1x80x128xf32, #tpu.memory_space<vmem>>
    %dma_start3A_142 = tpu.memref_squeeze %dma_start3A_141 : memref<1x80x128xf32, #tpu.memory_space<vmem>> -> memref<80x128xf32, #tpu.memory_space<vmem>>
    tpu.enqueue_dma source(%dma_start3A_142 : memref<80x128xf32, #tpu.memory_space<vmem>>) target(%dma_start3A_138 : memref<80x128xf32, #tpu.memory_space<hbm>>) target_semaphore(%arg14 : memref<!tpu.dma_semaphore, #tpu.memory_space<semaphore_mem>>)
    %dma_wait3A_143 = arith.constant 0 : i32
    %dma_wait3A_144 = arith.constant 0 : i32
    %dma_wait3A_145 = arith.constant 0 : i32
    %dma_wait3A_146 = tpu.memref_slice %arg8[%dma_wait3A_143, %dma_wait3A_144, %dma_wait3A_145] : memref<3x80x256xf32, #tpu.memory_space<vmem>> -> memref<1x80x256xf32, #tpu.memory_space<vmem>>
    %dma_wait3A_147 = tpu.memref_squeeze %dma_wait3A_146 : memref<1x80x256xf32, #tpu.memory_space<vmem>> -> memref<80x256xf32, #tpu.memory_space<vmem>>
    %dma_wait3A_148 = arith.constant 0 : i32
    %dma_wait3A_149 = tpu.memref_slice %arg5[%add3A_114, %dma_wait3A_148] : memref<12800x256xf32, #tpu.memory_space<hbm>> -> memref<80x256xf32, #tpu.memory_space<hbm>>
    %dma_wait3A_150 = arith.constant 0 : i32
    %dma_wait3A_151 = tpu.memref_slice %arg5[%add3A_114, %dma_wait3A_150] : memref<12800x256xf32, #tpu.memory_space<hbm>> -> memref<80x256xf32, #tpu.memory_space<hbm>>
    %dma_wait3A_152 = arith.constant 0 : i32
    %dma_wait3A_153 = arith.constant 0 : i32
    %dma_wait3A_154 = tpu.memref_slice %arg8[%dma_wait3A_143, %dma_wait3A_152, %dma_wait3A_153] : memref<3x80x256xf32, #tpu.memory_space<vmem>> -> memref<1x80x256xf32, #tpu.memory_space<vmem>>
    %dma_wait3A_155 = tpu.memref_squeeze %dma_wait3A_154 : memref<1x80x256xf32, #tpu.memory_space<vmem>> -> memref<80x256xf32, #tpu.memory_space<vmem>>
    tpu.wait_dma2 semaphore(%arg14 : memref<!tpu.dma_semaphore, #tpu.memory_space<semaphore_mem>>) src(%dma_wait3A_155 : memref<80x256xf32, #tpu.memory_space<vmem>>) dst(%dma_wait3A_151 : memref<80x256xf32, #tpu.memory_space<hbm>>)
    %dma_wait3A_156 = arith.constant 0 : i32
    %dma_wait3A_157 = arith.constant 0 : i32
    %dma_wait3A_158 = arith.constant 0 : i32
    %dma_wait3A_159 = tpu.memref_slice %arg9[%dma_wait3A_156, %dma_wait3A_157, %dma_wait3A_158] : memref<3x80x128xf32, #tpu.memory_space<vmem>> -> memref<1x80x128xf32, #tpu.memory_space<vmem>>
    %dma_wait3A_160 = tpu.memref_squeeze %dma_wait3A_159 : memref<1x80x128xf32, #tpu.memory_space<vmem>> -> memref<80x128xf32, #tpu.memory_space<vmem>>
    %dma_wait3A_161 = arith.constant 0 : i32
    %dma_wait3A_162 = tpu.memref_slice %arg6[%add3A_129, %dma_wait3A_161] : memref<12800x128xf32, #tpu.memory_space<hbm>> -> memref<80x128xf32, #tpu.memory_space<hbm>>
    %dma_wait3A_163 = arith.constant 0 : i32
    %dma_wait3A_164 = tpu.memref_slice %arg6[%add3A_129, %dma_wait3A_163] : memref<12800x128xf32, #tpu.memory_space<hbm>> -> memref<80x128xf32, #tpu.memory_space<hbm>>
    %dma_wait3A_165 = arith.constant 0 : i32
    %dma_wait3A_166 = arith.constant 0 : i32
    %dma_wait3A_167 = tpu.memref_slice %arg9[%dma_wait3A_156, %dma_wait3A_165, %dma_wait3A_166] : memref<3x80x128xf32, #tpu.memory_space<vmem>> -> memref<1x80x128xf32, #tpu.memory_space<vmem>>
    %dma_wait3A_168 = tpu.memref_squeeze %dma_wait3A_167 : memref<1x80x128xf32, #tpu.memory_space<vmem>> -> memref<80x128xf32, #tpu.memory_space<vmem>>
    tpu.wait_dma2 semaphore(%arg14 : memref<!tpu.dma_semaphore, #tpu.memory_space<semaphore_mem>>) src(%dma_wait3A_168 : memref<80x128xf32, #tpu.memory_space<vmem>>) dst(%dma_wait3A_164 : memref<80x128xf32, #tpu.memory_space<hbm>>)
    %dma_start3A_169 = arith.constant 3 : i32
    %dma_start3A_170 = arith.constant 0 : i32
    %dma_start3A_171 = arith.constant 0 : i32
    %dma_start3A_172 = arith.constant 0 : i32
    %dma_start3A_173 = tpu.memref_slice %arg8[%dma_start3A_170, %dma_start3A_171, %dma_start3A_172] : memref<3x80x256xf32, #tpu.memory_space<vmem>> -> memref<1x80x256xf32, #tpu.memory_space<vmem>>
    %dma_start3A_174 = tpu.memref_squeeze %dma_start3A_173 : memref<1x80x256xf32, #tpu.memory_space<vmem>> -> memref<80x256xf32, #tpu.memory_space<vmem>>
    %dma_start3A_175 = arith.constant 0 : i32
    %dma_start3A_176 = tpu.memref_slice %arg7[%dma_start3A_169, %dma_start3A_175] : memref<8x80xi32, #tpu.memory_space<vmem>> -> memref<1x80xi32, #tpu.memory_space<vmem>>
    %dma_start3A_177 = tpu.memref_squeeze %dma_start3A_176 : memref<1x80xi32, #tpu.memory_space<vmem>> -> memref<80xi32, #tpu.memory_space<vmem>>
    %dma_start3A_178 = arith.constant 0 : i32
    %dma_start3A_179 = arith.constant 0 : i32
    %dma_start3A_180 = tpu.memref_slice %arg2[%dma_start3A_178, %dma_start3A_179] : memref<100000x300xf32, #tpu.memory_space<hbm>> -> memref<100000x256xf32, #tpu.memory_space<hbm>>
    tpu.enqueue_indirect_dma source(%dma_start3A_180 : memref<100000x256xf32, #tpu.memory_space<hbm>>) target(%dma_start3A_174 : memref<80x256xf32, #tpu.memory_space<vmem>>) offsets(%dma_start3A_177 : memref<80xi32, #tpu.memory_space<vmem>>) semaphore(%arg11 : memref<!tpu.dma_semaphore, #tpu.memory_space<semaphore_mem>>)
    %dma_start3A_181 = arith.constant 3 : i32
    %dma_start3A_182 = arith.constant 0 : i32
    %dma_start3A_183 = arith.constant 0 : i32
    %dma_start3A_184 = arith.constant 0 : i32
    %dma_start3A_185 = tpu.memref_slice %arg9[%dma_start3A_182, %dma_start3A_183, %dma_start3A_184] : memref<3x80x128xf32, #tpu.memory_space<vmem>> -> memref<1x80x128xf32, #tpu.memory_space<vmem>>
    %dma_start3A_186 = tpu.memref_squeeze %dma_start3A_185 : memref<1x80x128xf32, #tpu.memory_space<vmem>> -> memref<80x128xf32, #tpu.memory_space<vmem>>
    %dma_start3A_187 = arith.constant 0 : i32
    %dma_start3A_188 = tpu.memref_slice %arg7[%dma_start3A_181, %dma_start3A_187] : memref<8x80xi32, #tpu.memory_space<vmem>> -> memref<1x80xi32, #tpu.memory_space<vmem>>
    %dma_start3A_189 = tpu.memref_squeeze %dma_start3A_188 : memref<1x80xi32, #tpu.memory_space<vmem>> -> memref<80xi32, #tpu.memory_space<vmem>>
    %dma_start3A_190 = arith.constant 0 : i32
    %dma_start3A_191 = arith.constant 0 : i32
    %dma_start3A_192 = tpu.memref_slice %arg3[%dma_start3A_190, %dma_start3A_191] : memref<100000x128xf32, #tpu.memory_space<hbm>> -> memref<100000x128xf32, #tpu.memory_space<hbm>>
    tpu.enqueue_indirect_dma source(%dma_start3A_192 : memref<100000x128xf32, #tpu.memory_space<hbm>>) target(%dma_start3A_186 : memref<80x128xf32, #tpu.memory_space<vmem>>) offsets(%dma_start3A_189 : memref<80xi32, #tpu.memory_space<vmem>>) semaphore(%arg11 : memref<!tpu.dma_semaphore, #tpu.memory_space<semaphore_mem>>)
    %dma_wait3A_193 = arith.constant 1 : i32
    %dma_wait3A_194 = arith.constant 1 : i32
    %dma_wait3A_195 = arith.constant 0 : i32
    %dma_wait3A_196 = arith.constant 0 : i32
    %dma_wait3A_197 = tpu.memref_slice %arg8[%dma_wait3A_194, %dma_wait3A_195, %dma_wait3A_196] : memref<3x80x256xf32, #tpu.memory_space<vmem>> -> memref<1x80x256xf32, #tpu.memory_space<vmem>>
    %dma_wait3A_198 = tpu.memref_squeeze %dma_wait3A_197 : memref<1x80x256xf32, #tpu.memory_space<vmem>> -> memref<80x256xf32, #tpu.memory_space<vmem>>
    %dma_wait3A_199 = arith.constant 0 : i32
    %dma_wait3A_200 = tpu.memref_slice %arg7[%dma_wait3A_193, %dma_wait3A_199] : memref<8x80xi32, #tpu.memory_space<vmem>> -> memref<1x80xi32, #tpu.memory_space<vmem>>
    %dma_wait3A_201 = tpu.memref_squeeze %dma_wait3A_200 : memref<1x80xi32, #tpu.memory_space<vmem>> -> memref<80xi32, #tpu.memory_space<vmem>>
    %dma_wait3A_202 = arith.constant 0 : i32
    %dma_wait3A_203 = arith.constant 0 : i32
    %dma_wait3A_204 = tpu.memref_slice %arg2[%dma_wait3A_202, %dma_wait3A_203] : memref<100000x300xf32, #tpu.memory_space<hbm>> -> memref<100000x256xf32, #tpu.memory_space<hbm>>
    tpu.wait_indirect_dma semaphore(%arg12 : memref<!tpu.dma_semaphore, #tpu.memory_space<semaphore_mem>>) src(%dma_wait3A_204 : memref<100000x256xf32, #tpu.memory_space<hbm>>) dst(%dma_wait3A_198 : memref<80x256xf32, #tpu.memory_space<vmem>>)
    %dma_wait3A_205 = arith.constant 1 : i32
    %dma_wait3A_206 = arith.constant 1 : i32
    %dma_wait3A_207 = arith.constant 0 : i32
    %dma_wait3A_208 = arith.constant 0 : i32
    %dma_wait3A_209 = tpu.memref_slice %arg9[%dma_wait3A_206, %dma_wait3A_207, %dma_wait3A_208] : memref<3x80x128xf32, #tpu.memory_space<vmem>> -> memref<1x80x128xf32, #tpu.memory_space<vmem>>
    %dma_wait3A_210 = tpu.memref_squeeze %dma_wait3A_209 : memref<1x80x128xf32, #tpu.memory_space<vmem>> -> memref<80x128xf32, #tpu.memory_space<vmem>>
    %dma_wait3A_211 = arith.constant 0 : i32
    %dma_wait3A_212 = tpu.memref_slice %arg7[%dma_wait3A_205, %dma_wait3A_211] : memref<8x80xi32, #tpu.memory_space<vmem>> -> memref<1x80xi32, #tpu.memory_space<vmem>>
    %dma_wait3A_213 = tpu.memref_squeeze %dma_wait3A_212 : memref<1x80xi32, #tpu.memory_space<vmem>> -> memref<80xi32, #tpu.memory_space<vmem>>
    %dma_wait3A_214 = arith.constant 0 : i32
    %dma_wait3A_215 = arith.constant 0 : i32
    %dma_wait3A_216 = tpu.memref_slice %arg3[%dma_wait3A_214, %dma_wait3A_215] : memref<100000x128xf32, #tpu.memory_space<hbm>> -> memref<100000x128xf32, #tpu.memory_space<hbm>>
    tpu.wait_indirect_dma semaphore(%arg12 : memref<!tpu.dma_semaphore, #tpu.memory_space<semaphore_mem>>) src(%dma_wait3A_216 : memref<100000x128xf32, #tpu.memory_space<hbm>>) dst(%dma_wait3A_210 : memref<80x128xf32, #tpu.memory_space<vmem>>)
    %add3A_217 = arith.constant 80 : i32
    %add3A_218 = arith.addi %mul3A_2, %add3A_217 : i32
    %dma_start3A_219 = arith.constant 1 : i32
    %dma_start3A_220 = arith.constant 0 : i32
    %dma_start3A_221 = arith.constant 0 : i32
    %dma_start3A_222 = tpu.memref_slice %arg8[%dma_start3A_219, %dma_start3A_220, %dma_start3A_221] : memref<3x80x256xf32, #tpu.memory_space<vmem>> -> memref<1x80x256xf32, #tpu.memory_space<vmem>>
    %dma_start3A_223 = tpu.memref_squeeze %dma_start3A_222 : memref<1x80x256xf32, #tpu.memory_space<vmem>> -> memref<80x256xf32, #tpu.memory_space<vmem>>
    %dma_start3A_224 = arith.constant 0 : i32
    %dma_start3A_225 = tpu.memref_slice %arg5[%add3A_218, %dma_start3A_224] : memref<12800x256xf32, #tpu.memory_space<hbm>> -> memref<80x256xf32, #tpu.memory_space<hbm>>
    %dma_start3A_226 = arith.constant 0 : i32
    %dma_start3A_227 = tpu.memref_slice %arg5[%add3A_218, %dma_start3A_226] : memref<12800x256xf32, #tpu.memory_space<hbm>> -> memref<80x256xf32, #tpu.memory_space<hbm>>
    %dma_start3A_228 = arith.constant 0 : i32
    %dma_start3A_229 = arith.constant 0 : i32
    %dma_start3A_230 = tpu.memref_slice %arg8[%dma_start3A_219, %dma_start3A_228, %dma_start3A_229] : memref<3x80x256xf32, #tpu.memory_space<vmem>> -> memref<1x80x256xf32, #tpu.memory_space<vmem>>
    %dma_start3A_231 = tpu.memref_squeeze %dma_start3A_230 : memref<1x80x256xf32, #tpu.memory_space<vmem>> -> memref<80x256xf32, #tpu.memory_space<vmem>>
    tpu.enqueue_dma source(%dma_start3A_231 : memref<80x256xf32, #tpu.memory_space<vmem>>) target(%dma_start3A_227 : memref<80x256xf32, #tpu.memory_space<hbm>>) target_semaphore(%arg15 : memref<!tpu.dma_semaphore, #tpu.memory_space<semaphore_mem>>)
    %add3A_232 = arith.constant 80 : i32
    %add3A_233 = arith.addi %mul3A_2, %add3A_232 : i32
    %dma_start3A_234 = arith.constant 1 : i32
    %dma_start3A_235 = arith.constant 0 : i32
    %dma_start3A_236 = arith.constant 0 : i32
    %dma_start3A_237 = tpu.memref_slice %arg9[%dma_start3A_234, %dma_start3A_235, %dma_start3A_236] : memref<3x80x128xf32, #tpu.memory_space<vmem>> -> memref<1x80x128xf32, #tpu.memory_space<vmem>>
    %dma_start3A_238 = tpu.memref_squeeze %dma_start3A_237 : memref<1x80x128xf32, #tpu.memory_space<vmem>> -> memref<80x128xf32, #tpu.memory_space<vmem>>
    %dma_start3A_239 = arith.constant 0 : i32
    %dma_start3A_240 = tpu.memref_slice %arg6[%add3A_233, %dma_start3A_239] : memref<12800x128xf32, #tpu.memory_space<hbm>> -> memref<80x128xf32, #tpu.memory_space<hbm>>
    %dma_start3A_241 = arith.constant 0 : i32
    %dma_start3A_242 = tpu.memref_slice %arg6[%add3A_233, %dma_start3A_241] : memref<12800x128xf32, #tpu.memory_space<hbm>> -> memref<80x128xf32, #tpu.memory_space<hbm>>
    %dma_start3A_243 = arith.constant 0 : i32
    %dma_start3A_244 = arith.constant 0 : i32
    %dma_start3A_245 = tpu.memref_slice %arg9[%dma_start3A_234, %dma_start3A_243, %dma_start3A_244] : memref<3x80x128xf32, #tpu.memory_space<vmem>> -> memref<1x80x128xf32, #tpu.memory_space<vmem>>
    %dma_start3A_246 = tpu.memref_squeeze %dma_start3A_245 : memref<1x80x128xf32, #tpu.memory_space<vmem>> -> memref<80x128xf32, #tpu.memory_space<vmem>>
    tpu.enqueue_dma source(%dma_start3A_246 : memref<80x128xf32, #tpu.memory_space<vmem>>) target(%dma_start3A_242 : memref<80x128xf32, #tpu.memory_space<hbm>>) target_semaphore(%arg15 : memref<!tpu.dma_semaphore, #tpu.memory_space<semaphore_mem>>)
    %dma_wait3A_247 = arith.constant 1 : i32
    %dma_wait3A_248 = arith.constant 0 : i32
    %dma_wait3A_249 = arith.constant 0 : i32
    %dma_wait3A_250 = tpu.memref_slice %arg8[%dma_wait3A_247, %dma_wait3A_248, %dma_wait3A_249] : memref<3x80x256xf32, #tpu.memory_space<vmem>> -> memref<1x80x256xf32, #tpu.memory_space<vmem>>
    %dma_wait3A_251 = tpu.memref_squeeze %dma_wait3A_250 : memref<1x80x256xf32, #tpu.memory_space<vmem>> -> memref<80x256xf32, #tpu.memory_space<vmem>>
    %dma_wait3A_252 = arith.constant 0 : i32
    %dma_wait3A_253 = tpu.memref_slice %arg5[%add3A_218, %dma_wait3A_252] : memref<12800x256xf32, #tpu.memory_space<hbm>> -> memref<80x256xf32, #tpu.memory_space<hbm>>
    %dma_wait3A_254 = arith.constant 0 : i32
    %dma_wait3A_255 = tpu.memref_slice %arg5[%add3A_218, %dma_wait3A_254] : memref<12800x256xf32, #tpu.memory_space<hbm>> -> memref<80x256xf32, #tpu.memory_space<hbm>>
    %dma_wait3A_256 = arith.constant 0 : i32
    %dma_wait3A_257 = arith.constant 0 : i32
    %dma_wait3A_258 = tpu.memref_slice %arg8[%dma_wait3A_247, %dma_wait3A_256, %dma_wait3A_257] : memref<3x80x256xf32, #tpu.memory_space<vmem>> -> memref<1x80x256xf32, #tpu.memory_space<vmem>>
    %dma_wait3A_259 = tpu.memref_squeeze %dma_wait3A_258 : memref<1x80x256xf32, #tpu.memory_space<vmem>> -> memref<80x256xf32, #tpu.memory_space<vmem>>
    tpu.wait_dma2 semaphore(%arg15 : memref<!tpu.dma_semaphore, #tpu.memory_space<semaphore_mem>>) src(%dma_wait3A_259 : memref<80x256xf32, #tpu.memory_space<vmem>>) dst(%dma_wait3A_255 : memref<80x256xf32, #tpu.memory_space<hbm>>)
    %dma_wait3A_260 = arith.constant 1 : i32
    %dma_wait3A_261 = arith.constant 0 : i32
    %dma_wait3A_262 = arith.constant 0 : i32
    %dma_wait3A_263 = tpu.memref_slice %arg9[%dma_wait3A_260, %dma_wait3A_261, %dma_wait3A_262] : memref<3x80x128xf32, #tpu.memory_space<vmem>> -> memref<1x80x128xf32, #tpu.memory_space<vmem>>
    %dma_wait3A_264 = tpu.memref_squeeze %dma_wait3A_263 : memref<1x80x128xf32, #tpu.memory_space<vmem>> -> memref<80x128xf32, #tpu.memory_space<vmem>>
    %dma_wait3A_265 = arith.constant 0 : i32
    %dma_wait3A_266 = tpu.memref_slice %arg6[%add3A_233, %dma_wait3A_265] : memref<12800x128xf32, #tpu.memory_space<hbm>> -> memref<80x128xf32, #tpu.memory_space<hbm>>
    %dma_wait3A_267 = arith.constant 0 : i32
    %dma_wait3A_268 = tpu.memref_slice %arg6[%add3A_233, %dma_wait3A_267] : memref<12800x128xf32, #tpu.memory_space<hbm>> -> memref<80x128xf32, #tpu.memory_space<hbm>>
    %dma_wait3A_269 = arith.constant 0 : i32
    %dma_wait3A_270 = arith.constant 0 : i32
    %dma_wait3A_271 = tpu.memref_slice %arg9[%dma_wait3A_260, %dma_wait3A_269, %dma_wait3A_270] : memref<3x80x128xf32, #tpu.memory_space<vmem>> -> memref<1x80x128xf32, #tpu.memory_space<vmem>>
    %dma_wait3A_272 = tpu.memref_squeeze %dma_wait3A_271 : memref<1x80x128xf32, #tpu.memory_space<vmem>> -> memref<80x128xf32, #tpu.memory_space<vmem>>
    tpu.wait_dma2 semaphore(%arg15 : memref<!tpu.dma_semaphore, #tpu.memory_space<semaphore_mem>>) src(%dma_wait3A_272 : memref<80x128xf32, #tpu.memory_space<vmem>>) dst(%dma_wait3A_268 : memref<80x128xf32, #tpu.memory_space<hbm>>)
    %dma_start3A_273 = arith.constant 4 : i32
    %dma_start3A_274 = arith.constant 1 : i32
    %dma_start3A_275 = arith.constant 0 : i32
    %dma_start3A_276 = arith.constant 0 : i32
    %dma_start3A_277 = tpu.memref_slice %arg8[%dma_start3A_274, %dma_start3A_275, %dma_start3A_276] : memref<3x80x256xf32, #tpu.memory_space<vmem>> -> memref<1x80x256xf32, #tpu.memory_space<vmem>>
    %dma_start3A_278 = tpu.memref_squeeze %dma_start3A_277 : memref<1x80x256xf32, #tpu.memory_space<vmem>> -> memref<80x256xf32, #tpu.memory_space<vmem>>
    %dma_start3A_279 = arith.constant 0 : i32
    %dma_start3A_280 = tpu.memref_slice %arg7[%dma_start3A_273, %dma_start3A_279] : memref<8x80xi32, #tpu.memory_space<vmem>> -> memref<1x80xi32, #tpu.memory_space<vmem>>
    %dma_start3A_281 = tpu.memref_squeeze %dma_start3A_280 : memref<1x80xi32, #tpu.memory_space<vmem>> -> memref<80xi32, #tpu.memory_space<vmem>>
    %dma_start3A_282 = arith.constant 0 : i32
    %dma_start3A_283 = arith.constant 0 : i32
    %dma_start3A_284 = tpu.memref_slice %arg2[%dma_start3A_282, %dma_start3A_283] : memref<100000x300xf32, #tpu.memory_space<hbm>> -> memref<100000x256xf32, #tpu.memory_space<hbm>>
    tpu.enqueue_indirect_dma source(%dma_start3A_284 : memref<100000x256xf32, #tpu.memory_space<hbm>>) target(%dma_start3A_278 : memref<80x256xf32, #tpu.memory_space<vmem>>) offsets(%dma_start3A_281 : memref<80xi32, #tpu.memory_space<vmem>>) semaphore(%arg12 : memref<!tpu.dma_semaphore, #tpu.memory_space<semaphore_mem>>)
    %dma_start3A_285 = arith.constant 4 : i32
    %dma_start3A_286 = arith.constant 1 : i32
    %dma_start3A_287 = arith.constant 0 : i32
    %dma_start3A_288 = arith.constant 0 : i32
    %dma_start3A_289 = tpu.memref_slice %arg9[%dma_start3A_286, %dma_start3A_287, %dma_start3A_288] : memref<3x80x128xf32, #tpu.memory_space<vmem>> -> memref<1x80x128xf32, #tpu.memory_space<vmem>>
    %dma_start3A_290 = tpu.memref_squeeze %dma_start3A_289 : memref<1x80x128xf32, #tpu.memory_space<vmem>> -> memref<80x128xf32, #tpu.memory_space<vmem>>
    %dma_start3A_291 = arith.constant 0 : i32
    %dma_start3A_292 = tpu.memref_slice %arg7[%dma_start3A_285, %dma_start3A_291] : memref<8x80xi32, #tpu.memory_space<vmem>> -> memref<1x80xi32, #tpu.memory_space<vmem>>
    %dma_start3A_293 = tpu.memref_squeeze %dma_start3A_292 : memref<1x80xi32, #tpu.memory_space<vmem>> -> memref<80xi32, #tpu.memory_space<vmem>>
    %dma_start3A_294 = arith.constant 0 : i32
    %dma_start3A_295 = arith.constant 0 : i32
    %dma_start3A_296 = tpu.memref_slice %arg3[%dma_start3A_294, %dma_start3A_295] : memref<100000x128xf32, #tpu.memory_space<hbm>> -> memref<100000x128xf32, #tpu.memory_space<hbm>>
    tpu.enqueue_indirect_dma source(%dma_start3A_296 : memref<100000x128xf32, #tpu.memory_space<hbm>>) target(%dma_start3A_290 : memref<80x128xf32, #tpu.memory_space<vmem>>) offsets(%dma_start3A_293 : memref<80xi32, #tpu.memory_space<vmem>>) semaphore(%arg12 : memref<!tpu.dma_semaphore, #tpu.memory_space<semaphore_mem>>)
    %dma_wait3A_297 = arith.constant 2 : i32
    %dma_wait3A_298 = arith.constant 2 : i32
    %dma_wait3A_299 = arith.constant 0 : i32
    %dma_wait3A_300 = arith.constant 0 : i32
    %dma_wait3A_301 = tpu.memref_slice %arg8[%dma_wait3A_298, %dma_wait3A_299, %dma_wait3A_300] : memref<3x80x256xf32, #tpu.memory_space<vmem>> -> memref<1x80x256xf32, #tpu.memory_space<vmem>>
    %dma_wait3A_302 = tpu.memref_squeeze %dma_wait3A_301 : memref<1x80x256xf32, #tpu.memory_space<vmem>> -> memref<80x256xf32, #tpu.memory_space<vmem>>
    %dma_wait3A_303 = arith.constant 0 : i32
    %dma_wait3A_304 = tpu.memref_slice %arg7[%dma_wait3A_297, %dma_wait3A_303] : memref<8x80xi32, #tpu.memory_space<vmem>> -> memref<1x80xi32, #tpu.memory_space<vmem>>
    %dma_wait3A_305 = tpu.memref_squeeze %dma_wait3A_304 : memref<1x80xi32, #tpu.memory_space<vmem>> -> memref<80xi32, #tpu.memory_space<vmem>>
    %dma_wait3A_306 = arith.constant 0 : i32
    %dma_wait3A_307 = arith.constant 0 : i32
    %dma_wait3A_308 = tpu.memref_slice %arg2[%dma_wait3A_306, %dma_wait3A_307] : memref<100000x300xf32, #tpu.memory_space<hbm>> -> memref<100000x256xf32, #tpu.memory_space<hbm>>
    tpu.wait_indirect_dma semaphore(%arg13 : memref<!tpu.dma_semaphore, #tpu.memory_space<semaphore_mem>>) src(%dma_wait3A_308 : memref<100000x256xf32, #tpu.memory_space<hbm>>) dst(%dma_wait3A_302 : memref<80x256xf32, #tpu.memory_space<vmem>>)
    %dma_wait3A_309 = arith.constant 2 : i32
    %dma_wait3A_310 = arith.constant 2 : i32
    %dma_wait3A_311 = arith.constant 0 : i32
    %dma_wait3A_312 = arith.constant 0 : i32
    %dma_wait3A_313 = tpu.memref_slice %arg9[%dma_wait3A_310, %dma_wait3A_311, %dma_wait3A_312] : memref<3x80x128xf32, #tpu.memory_space<vmem>> -> memref<1x80x128xf32, #tpu.memory_space<vmem>>
    %dma_wait3A_314 = tpu.memref_squeeze %dma_wait3A_313 : memref<1x80x128xf32, #tpu.memory_space<vmem>> -> memref<80x128xf32, #tpu.memory_space<vmem>>
    %dma_wait3A_315 = arith.constant 0 : i32
    %dma_wait3A_316 = tpu.memref_slice %arg7[%dma_wait3A_309, %dma_wait3A_315] : memref<8x80xi32, #tpu.memory_space<vmem>> -> memref<1x80xi32, #tpu.memory_space<vmem>>
    %dma_wait3A_317 = tpu.memref_squeeze %dma_wait3A_316 : memref<1x80xi32, #tpu.memory_space<vmem>> -> memref<80xi32, #tpu.memory_space<vmem>>
    %dma_wait3A_318 = arith.constant 0 : i32
    %dma_wait3A_319 = arith.constant 0 : i32
    %dma_wait3A_320 = tpu.memref_slice %arg3[%dma_wait3A_318, %dma_wait3A_319] : memref<100000x128xf32, #tpu.memory_space<hbm>> -> memref<100000x128xf32, #tpu.memory_space<hbm>>
    tpu.wait_indirect_dma semaphore(%arg13 : memref<!tpu.dma_semaphore, #tpu.memory_space<semaphore_mem>>) src(%dma_wait3A_320 : memref<100000x128xf32, #tpu.memory_space<hbm>>) dst(%dma_wait3A_314 : memref<80x128xf32, #tpu.memory_space<vmem>>)
    %add3A_321 = arith.constant 160 : i32
    %add3A_322 = arith.addi %mul3A_2, %add3A_321 : i32
    %dma_start3A_323 = arith.constant 2 : i32
    %dma_start3A_324 = arith.constant 0 : i32
    %dma_start3A_325 = arith.constant 0 : i32
    %dma_start3A_326 = tpu.memref_slice %arg8[%dma_start3A_323, %dma_start3A_324, %dma_start3A_325] : memref<3x80x256xf32, #tpu.memory_space<vmem>> -> memref<1x80x256xf32, #tpu.memory_space<vmem>>
    %dma_start3A_327 = tpu.memref_squeeze %dma_start3A_326 : memref<1x80x256xf32, #tpu.memory_space<vmem>> -> memref<80x256xf32, #tpu.memory_space<vmem>>
    %dma_start3A_328 = arith.constant 0 : i32
    %dma_start3A_329 = tpu.memref_slice %arg5[%add3A_322, %dma_start3A_328] : memref<12800x256xf32, #tpu.memory_space<hbm>> -> memref<80x256xf32, #tpu.memory_space<hbm>>
    %dma_start3A_330 = arith.constant 0 : i32
    %dma_start3A_331 = tpu.memref_slice %arg5[%add3A_322, %dma_start3A_330] : memref<12800x256xf32, #tpu.memory_space<hbm>> -> memref<80x256xf32, #tpu.memory_space<hbm>>
    %dma_start3A_332 = arith.constant 0 : i32
    %dma_start3A_333 = arith.constant 0 : i32
    %dma_start3A_334 = tpu.memref_slice %arg8[%dma_start3A_323, %dma_start3A_332, %dma_start3A_333] : memref<3x80x256xf32, #tpu.memory_space<vmem>> -> memref<1x80x256xf32, #tpu.memory_space<vmem>>
    %dma_start3A_335 = tpu.memref_squeeze %dma_start3A_334 : memref<1x80x256xf32, #tpu.memory_space<vmem>> -> memref<80x256xf32, #tpu.memory_space<vmem>>
    tpu.enqueue_dma source(%dma_start3A_335 : memref<80x256xf32, #tpu.memory_space<vmem>>) target(%dma_start3A_331 : memref<80x256xf32, #tpu.memory_space<hbm>>) target_semaphore(%arg16 : memref<!tpu.dma_semaphore, #tpu.memory_space<semaphore_mem>>)
    %add3A_336 = arith.constant 160 : i32
    %add3A_337 = arith.addi %mul3A_2, %add3A_336 : i32
    %dma_start3A_338 = arith.constant 2 : i32
    %dma_start3A_339 = arith.constant 0 : i32
    %dma_start3A_340 = arith.constant 0 : i32
    %dma_start3A_341 = tpu.memref_slice %arg9[%dma_start3A_338, %dma_start3A_339, %dma_start3A_340] : memref<3x80x128xf32, #tpu.memory_space<vmem>> -> memref<1x80x128xf32, #tpu.memory_space<vmem>>
    %dma_start3A_342 = tpu.memref_squeeze %dma_start3A_341 : memref<1x80x128xf32, #tpu.memory_space<vmem>> -> memref<80x128xf32, #tpu.memory_space<vmem>>
    %dma_start3A_343 = arith.constant 0 : i32
    %dma_start3A_344 = tpu.memref_slice %arg6[%add3A_337, %dma_start3A_343] : memref<12800x128xf32, #tpu.memory_space<hbm>> -> memref<80x128xf32, #tpu.memory_space<hbm>>
    %dma_start3A_345 = arith.constant 0 : i32
    %dma_start3A_346 = tpu.memref_slice %arg6[%add3A_337, %dma_start3A_345] : memref<12800x128xf32, #tpu.memory_space<hbm>> -> memref<80x128xf32, #tpu.memory_space<hbm>>
    %dma_start3A_347 = arith.constant 0 : i32
    %dma_start3A_348 = arith.constant 0 : i32
    %dma_start3A_349 = tpu.memref_slice %arg9[%dma_start3A_338, %dma_start3A_347, %dma_start3A_348] : memref<3x80x128xf32, #tpu.memory_space<vmem>> -> memref<1x80x128xf32, #tpu.memory_space<vmem>>
    %dma_start3A_350 = tpu.memref_squeeze %dma_start3A_349 : memref<1x80x128xf32, #tpu.memory_space<vmem>> -> memref<80x128xf32, #tpu.memory_space<vmem>>
    tpu.enqueue_dma source(%dma_start3A_350 : memref<80x128xf32, #tpu.memory_space<vmem>>) target(%dma_start3A_346 : memref<80x128xf32, #tpu.memory_space<hbm>>) target_semaphore(%arg16 : memref<!tpu.dma_semaphore, #tpu.memory_space<semaphore_mem>>)
    %dma_wait3A_351 = arith.constant 3 : i32
    %dma_wait3A_352 = arith.constant 0 : i32
    %dma_wait3A_353 = arith.constant 0 : i32
    %dma_wait3A_354 = arith.constant 0 : i32
    %dma_wait3A_355 = tpu.memref_slice %arg8[%dma_wait3A_352, %dma_wait3A_353, %dma_wait3A_354] : memref<3x80x256xf32, #tpu.memory_space<vmem>> -> memref<1x80x256xf32, #tpu.memory_space<vmem>>
    %dma_wait3A_356 = tpu.memref_squeeze %dma_wait3A_355 : memref<1x80x256xf32, #tpu.memory_space<vmem>> -> memref<80x256xf32, #tpu.memory_space<vmem>>
    %dma_wait3A_357 = arith.constant 0 : i32
    %dma_wait3A_358 = tpu.memref_slice %arg7[%dma_wait3A_351, %dma_wait3A_357] : memref<8x80xi32, #tpu.memory_space<vmem>> -> memref<1x80xi32, #tpu.memory_space<vmem>>
    %dma_wait3A_359 = tpu.memref_squeeze %dma_wait3A_358 : memref<1x80xi32, #tpu.memory_space<vmem>> -> memref<80xi32, #tpu.memory_space<vmem>>
    %dma_wait3A_360 = arith.constant 0 : i32
    %dma_wait3A_361 = arith.constant 0 : i32
    %dma_wait3A_362 = tpu.memref_slice %arg2[%dma_wait3A_360, %dma_wait3A_361] : memref<100000x300xf32, #tpu.memory_space<hbm>> -> memref<100000x256xf32, #tpu.memory_space<hbm>>
    tpu.wait_indirect_dma semaphore(%arg11 : memref<!tpu.dma_semaphore, #tpu.memory_space<semaphore_mem>>) src(%dma_wait3A_362 : memref<100000x256xf32, #tpu.memory_space<hbm>>) dst(%dma_wait3A_356 : memref<80x256xf32, #tpu.memory_space<vmem>>)
    %dma_wait3A_363 = arith.constant 3 : i32
    %dma_wait3A_364 = arith.constant 0 : i32
    %dma_wait3A_365 = arith.constant 0 : i32
    %dma_wait3A_366 = arith.constant 0 : i32
    %dma_wait3A_367 = tpu.memref_slice %arg9[%dma_wait3A_364, %dma_wait3A_365, %dma_wait3A_366] : memref<3x80x128xf32, #tpu.memory_space<vmem>> -> memref<1x80x128xf32, #tpu.memory_space<vmem>>
    %dma_wait3A_368 = tpu.memref_squeeze %dma_wait3A_367 : memref<1x80x128xf32, #tpu.memory_space<vmem>> -> memref<80x128xf32, #tpu.memory_space<vmem>>
    %dma_wait3A_369 = arith.constant 0 : i32
    %dma_wait3A_370 = tpu.memref_slice %arg7[%dma_wait3A_363, %dma_wait3A_369] : memref<8x80xi32, #tpu.memory_space<vmem>> -> memref<1x80xi32, #tpu.memory_space<vmem>>
    %dma_wait3A_371 = tpu.memref_squeeze %dma_wait3A_370 : memref<1x80xi32, #tpu.memory_space<vmem>> -> memref<80xi32, #tpu.memory_space<vmem>>
    %dma_wait3A_372 = arith.constant 0 : i32
    %dma_wait3A_373 = arith.constant 0 : i32
    %dma_wait3A_374 = tpu.memref_slice %arg3[%dma_wait3A_372, %dma_wait3A_373] : memref<100000x128xf32, #tpu.memory_space<hbm>> -> memref<100000x128xf32, #tpu.memory_space<hbm>>
    tpu.wait_indirect_dma semaphore(%arg11 : memref<!tpu.dma_semaphore, #tpu.memory_space<semaphore_mem>>) src(%dma_wait3A_374 : memref<100000x128xf32, #tpu.memory_space<hbm>>) dst(%dma_wait3A_368 : memref<80x128xf32, #tpu.memory_space<vmem>>)
    %add3A_375 = arith.constant 240 : i32
    %add3A_376 = arith.addi %mul3A_2, %add3A_375 : i32
    %dma_start3A_377 = arith.constant 0 : i32
    %dma_start3A_378 = arith.constant 0 : i32
    %dma_start3A_379 = arith.constant 0 : i32
    %dma_start3A_380 = tpu.memref_slice %arg8[%dma_start3A_377, %dma_start3A_378, %dma_start3A_379] : memref<3x80x256xf32, #tpu.memory_space<vmem>> -> memref<1x80x256xf32, #tpu.memory_space<vmem>>
    %dma_start3A_381 = tpu.memref_squeeze %dma_start3A_380 : memref<1x80x256xf32, #tpu.memory_space<vmem>> -> memref<80x256xf32, #tpu.memory_space<vmem>>
    %dma_start3A_382 = arith.constant 0 : i32
    %dma_start3A_383 = tpu.memref_slice %arg5[%add3A_376, %dma_start3A_382] : memref<12800x256xf32, #tpu.memory_space<hbm>> -> memref<80x256xf32, #tpu.memory_space<hbm>>
    %dma_start3A_384 = arith.constant 0 : i32
    %dma_start3A_385 = tpu.memref_slice %arg5[%add3A_376, %dma_start3A_384] : memref<12800x256xf32, #tpu.memory_space<hbm>> -> memref<80x256xf32, #tpu.memory_space<hbm>>
    %dma_start3A_386 = arith.constant 0 : i32
    %dma_start3A_387 = arith.constant 0 : i32
    %dma_start3A_388 = tpu.memref_slice %arg8[%dma_start3A_377, %dma_start3A_386, %dma_start3A_387] : memref<3x80x256xf32, #tpu.memory_space<vmem>> -> memref<1x80x256xf32, #tpu.memory_space<vmem>>
    %dma_start3A_389 = tpu.memref_squeeze %dma_start3A_388 : memref<1x80x256xf32, #tpu.memory_space<vmem>> -> memref<80x256xf32, #tpu.memory_space<vmem>>
    tpu.enqueue_dma source(%dma_start3A_389 : memref<80x256xf32, #tpu.memory_space<vmem>>) target(%dma_start3A_385 : memref<80x256xf32, #tpu.memory_space<hbm>>) target_semaphore(%arg14 : memref<!tpu.dma_semaphore, #tpu.memory_space<semaphore_mem>>)
    %add3A_390 = arith.constant 240 : i32
    %add3A_391 = arith.addi %mul3A_2, %add3A_390 : i32
    %dma_start3A_392 = arith.constant 0 : i32
    %dma_start3A_393 = arith.constant 0 : i32
    %dma_start3A_394 = arith.constant 0 : i32
    %dma_start3A_395 = tpu.memref_slice %arg9[%dma_start3A_392, %dma_start3A_393, %dma_start3A_394] : memref<3x80x128xf32, #tpu.memory_space<vmem>> -> memref<1x80x128xf32, #tpu.memory_space<vmem>>
    %dma_start3A_396 = tpu.memref_squeeze %dma_start3A_395 : memref<1x80x128xf32, #tpu.memory_space<vmem>> -> memref<80x128xf32, #tpu.memory_space<vmem>>
    %dma_start3A_397 = arith.constant 0 : i32
    %dma_start3A_398 = tpu.memref_slice %arg6[%add3A_391, %dma_start3A_397] : memref<12800x128xf32, #tpu.memory_space<hbm>> -> memref<80x128xf32, #tpu.memory_space<hbm>>
    %dma_start3A_399 = arith.constant 0 : i32
    %dma_start3A_400 = tpu.memref_slice %arg6[%add3A_391, %dma_start3A_399] : memref<12800x128xf32, #tpu.memory_space<hbm>> -> memref<80x128xf32, #tpu.memory_space<hbm>>
    %dma_start3A_401 = arith.constant 0 : i32
    %dma_start3A_402 = arith.constant 0 : i32
    %dma_start3A_403 = tpu.memref_slice %arg9[%dma_start3A_392, %dma_start3A_401, %dma_start3A_402] : memref<3x80x128xf32, #tpu.memory_space<vmem>> -> memref<1x80x128xf32, #tpu.memory_space<vmem>>
    %dma_start3A_404 = tpu.memref_squeeze %dma_start3A_403 : memref<1x80x128xf32, #tpu.memory_space<vmem>> -> memref<80x128xf32, #tpu.memory_space<vmem>>
    tpu.enqueue_dma source(%dma_start3A_404 : memref<80x128xf32, #tpu.memory_space<vmem>>) target(%dma_start3A_400 : memref<80x128xf32, #tpu.memory_space<hbm>>) target_semaphore(%arg14 : memref<!tpu.dma_semaphore, #tpu.memory_space<semaphore_mem>>)
    %dma_wait3A_405 = arith.constant 4 : i32
    %dma_wait3A_406 = arith.constant 1 : i32
    %dma_wait3A_407 = arith.constant 0 : i32
    %dma_wait3A_408 = arith.constant 0 : i32
    %dma_wait3A_409 = tpu.memref_slice %arg8[%dma_wait3A_406, %dma_wait3A_407, %dma_wait3A_408] : memref<3x80x256xf32, #tpu.memory_space<vmem>> -> memref<1x80x256xf32, #tpu.memory_space<vmem>>
    %dma_wait3A_410 = tpu.memref_squeeze %dma_wait3A_409 : memref<1x80x256xf32, #tpu.memory_space<vmem>> -> memref<80x256xf32, #tpu.memory_space<vmem>>
    %dma_wait3A_411 = arith.constant 0 : i32
    %dma_wait3A_412 = tpu.memref_slice %arg7[%dma_wait3A_405, %dma_wait3A_411] : memref<8x80xi32, #tpu.memory_space<vmem>> -> memref<1x80xi32, #tpu.memory_space<vmem>>
    %dma_wait3A_413 = tpu.memref_squeeze %dma_wait3A_412 : memref<1x80xi32, #tpu.memory_space<vmem>> -> memref<80xi32, #tpu.memory_space<vmem>>
    %dma_wait3A_414 = arith.constant 0 : i32
    %dma_wait3A_415 = arith.constant 0 : i32
    %dma_wait3A_416 = tpu.memref_slice %arg2[%dma_wait3A_414, %dma_wait3A_415] : memref<100000x300xf32, #tpu.memory_space<hbm>> -> memref<100000x256xf32, #tpu.memory_space<hbm>>
    tpu.wait_indirect_dma semaphore(%arg12 : memref<!tpu.dma_semaphore, #tpu.memory_space<semaphore_mem>>) src(%dma_wait3A_416 : memref<100000x256xf32, #tpu.memory_space<hbm>>) dst(%dma_wait3A_410 : memref<80x256xf32, #tpu.memory_space<vmem>>)
    %dma_wait3A_417 = arith.constant 4 : i32
    %dma_wait3A_418 = arith.constant 1 : i32
    %dma_wait3A_419 = arith.constant 0 : i32
    %dma_wait3A_420 = arith.constant 0 : i32
    %dma_wait3A_421 = tpu.memref_slice %arg9[%dma_wait3A_418, %dma_wait3A_419, %dma_wait3A_420] : memref<3x80x128xf32, #tpu.memory_space<vmem>> -> memref<1x80x128xf32, #tpu.memory_space<vmem>>
    %dma_wait3A_422 = tpu.memref_squeeze %dma_wait3A_421 : memref<1x80x128xf32, #tpu.memory_space<vmem>> -> memref<80x128xf32, #tpu.memory_space<vmem>>
    %dma_wait3A_423 = arith.constant 0 : i32
    %dma_wait3A_424 = tpu.memref_slice %arg7[%dma_wait3A_417, %dma_wait3A_423] : memref<8x80xi32, #tpu.memory_space<vmem>> -> memref<1x80xi32, #tpu.memory_space<vmem>>
    %dma_wait3A_425 = tpu.memref_squeeze %dma_wait3A_424 : memref<1x80xi32, #tpu.memory_space<vmem>> -> memref<80xi32, #tpu.memory_space<vmem>>
    %dma_wait3A_426 = arith.constant 0 : i32
    %dma_wait3A_427 = arith.constant 0 : i32
    %dma_wait3A_428 = tpu.memref_slice %arg3[%dma_wait3A_426, %dma_wait3A_427] : memref<100000x128xf32, #tpu.memory_space<hbm>> -> memref<100000x128xf32, #tpu.memory_space<hbm>>
    tpu.wait_indirect_dma semaphore(%arg12 : memref<!tpu.dma_semaphore, #tpu.memory_space<semaphore_mem>>) src(%dma_wait3A_428 : memref<100000x128xf32, #tpu.memory_space<hbm>>) dst(%dma_wait3A_422 : memref<80x128xf32, #tpu.memory_space<vmem>>)
    %add3A_429 = arith.constant 320 : i32
    %add3A_430 = arith.addi %mul3A_2, %add3A_429 : i32
    %dma_start3A_431 = arith.constant 1 : i32
    %dma_start3A_432 = arith.constant 0 : i32
    %dma_start3A_433 = arith.constant 0 : i32
    %dma_start3A_434 = tpu.memref_slice %arg8[%dma_start3A_431, %dma_start3A_432, %dma_start3A_433] : memref<3x80x256xf32, #tpu.memory_space<vmem>> -> memref<1x80x256xf32, #tpu.memory_space<vmem>>
    %dma_start3A_435 = tpu.memref_squeeze %dma_start3A_434 : memref<1x80x256xf32, #tpu.memory_space<vmem>> -> memref<80x256xf32, #tpu.memory_space<vmem>>
    %dma_start3A_436 = arith.constant 0 : i32
    %dma_start3A_437 = tpu.memref_slice %arg5[%add3A_430, %dma_start3A_436] : memref<12800x256xf32, #tpu.memory_space<hbm>> -> memref<80x256xf32, #tpu.memory_space<hbm>>
    %dma_start3A_438 = arith.constant 0 : i32
    %dma_start3A_439 = tpu.memref_slice %arg5[%add3A_430, %dma_start3A_438] : memref<12800x256xf32, #tpu.memory_space<hbm>> -> memref<80x256xf32, #tpu.memory_space<hbm>>
    %dma_start3A_440 = arith.constant 0 : i32
    %dma_start3A_441 = arith.constant 0 : i32
    %dma_start3A_442 = tpu.memref_slice %arg8[%dma_start3A_431, %dma_start3A_440, %dma_start3A_441] : memref<3x80x256xf32, #tpu.memory_space<vmem>> -> memref<1x80x256xf32, #tpu.memory_space<vmem>>
    %dma_start3A_443 = tpu.memref_squeeze %dma_start3A_442 : memref<1x80x256xf32, #tpu.memory_space<vmem>> -> memref<80x256xf32, #tpu.memory_space<vmem>>
    tpu.enqueue_dma source(%dma_start3A_443 : memref<80x256xf32, #tpu.memory_space<vmem>>) target(%dma_start3A_439 : memref<80x256xf32, #tpu.memory_space<hbm>>) target_semaphore(%arg15 : memref<!tpu.dma_semaphore, #tpu.memory_space<semaphore_mem>>)
    %add3A_444 = arith.constant 320 : i32
    %add3A_445 = arith.addi %mul3A_2, %add3A_444 : i32
    %dma_start3A_446 = arith.constant 1 : i32
    %dma_start3A_447 = arith.constant 0 : i32
    %dma_start3A_448 = arith.constant 0 : i32
    %dma_start3A_449 = tpu.memref_slice %arg9[%dma_start3A_446, %dma_start3A_447, %dma_start3A_448] : memref<3x80x128xf32, #tpu.memory_space<vmem>> -> memref<1x80x128xf32, #tpu.memory_space<vmem>>
    %dma_start3A_450 = tpu.memref_squeeze %dma_start3A_449 : memref<1x80x128xf32, #tpu.memory_space<vmem>> -> memref<80x128xf32, #tpu.memory_space<vmem>>
    %dma_start3A_451 = arith.constant 0 : i32
    %dma_start3A_452 = tpu.memref_slice %arg6[%add3A_445, %dma_start3A_451] : memref<12800x128xf32, #tpu.memory_space<hbm>> -> memref<80x128xf32, #tpu.memory_space<hbm>>
    %dma_start3A_453 = arith.constant 0 : i32
    %dma_start3A_454 = tpu.memref_slice %arg6[%add3A_445, %dma_start3A_453] : memref<12800x128xf32, #tpu.memory_space<hbm>> -> memref<80x128xf32, #tpu.memory_space<hbm>>
    %dma_start3A_455 = arith.constant 0 : i32
    %dma_start3A_456 = arith.constant 0 : i32
    %dma_start3A_457 = tpu.memref_slice %arg9[%dma_start3A_446, %dma_start3A_455, %dma_start3A_456] : memref<3x80x128xf32, #tpu.memory_space<vmem>> -> memref<1x80x128xf32, #tpu.memory_space<vmem>>
    %dma_start3A_458 = tpu.memref_squeeze %dma_start3A_457 : memref<1x80x128xf32, #tpu.memory_space<vmem>> -> memref<80x128xf32, #tpu.memory_space<vmem>>
    tpu.enqueue_dma source(%dma_start3A_458 : memref<80x128xf32, #tpu.memory_space<vmem>>) target(%dma_start3A_454 : memref<80x128xf32, #tpu.memory_space<hbm>>) target_semaphore(%arg15 : memref<!tpu.dma_semaphore, #tpu.memory_space<semaphore_mem>>)
    %dma_wait3A_459 = arith.constant 2 : i32
    %dma_wait3A_460 = arith.constant 0 : i32
    %dma_wait3A_461 = arith.constant 0 : i32
    %dma_wait3A_462 = tpu.memref_slice %arg8[%dma_wait3A_459, %dma_wait3A_460, %dma_wait3A_461] : memref<3x80x256xf32, #tpu.memory_space<vmem>> -> memref<1x80x256xf32, #tpu.memory_space<vmem>>
    %dma_wait3A_463 = tpu.memref_squeeze %dma_wait3A_462 : memref<1x80x256xf32, #tpu.memory_space<vmem>> -> memref<80x256xf32, #tpu.memory_space<vmem>>
    %dma_wait3A_464 = arith.constant 0 : i32
    %dma_wait3A_465 = tpu.memref_slice %arg5[%add3A_322, %dma_wait3A_464] : memref<12800x256xf32, #tpu.memory_space<hbm>> -> memref<80x256xf32, #tpu.memory_space<hbm>>
    %dma_wait3A_466 = arith.constant 0 : i32
    %dma_wait3A_467 = tpu.memref_slice %arg5[%add3A_322, %dma_wait3A_466] : memref<12800x256xf32, #tpu.memory_space<hbm>> -> memref<80x256xf32, #tpu.memory_space<hbm>>
    %dma_wait3A_468 = arith.constant 0 : i32
    %dma_wait3A_469 = arith.constant 0 : i32
    %dma_wait3A_470 = tpu.memref_slice %arg8[%dma_wait3A_459, %dma_wait3A_468, %dma_wait3A_469] : memref<3x80x256xf32, #tpu.memory_space<vmem>> -> memref<1x80x256xf32, #tpu.memory_space<vmem>>
    %dma_wait3A_471 = tpu.memref_squeeze %dma_wait3A_470 : memref<1x80x256xf32, #tpu.memory_space<vmem>> -> memref<80x256xf32, #tpu.memory_space<vmem>>
    tpu.wait_dma2 semaphore(%arg16 : memref<!tpu.dma_semaphore, #tpu.memory_space<semaphore_mem>>) src(%dma_wait3A_471 : memref<80x256xf32, #tpu.memory_space<vmem>>) dst(%dma_wait3A_467 : memref<80x256xf32, #tpu.memory_space<hbm>>)
    %dma_wait3A_472 = arith.constant 2 : i32
    %dma_wait3A_473 = arith.constant 0 : i32
    %dma_wait3A_474 = arith.constant 0 : i32
    %dma_wait3A_475 = tpu.memref_slice %arg9[%dma_wait3A_472, %dma_wait3A_473, %dma_wait3A_474] : memref<3x80x128xf32, #tpu.memory_space<vmem>> -> memref<1x80x128xf32, #tpu.memory_space<vmem>>
    %dma_wait3A_476 = tpu.memref_squeeze %dma_wait3A_475 : memref<1x80x128xf32, #tpu.memory_space<vmem>> -> memref<80x128xf32, #tpu.memory_space<vmem>>
    %dma_wait3A_477 = arith.constant 0 : i32
    %dma_wait3A_478 = tpu.memref_slice %arg6[%add3A_337, %dma_wait3A_477] : memref<12800x128xf32, #tpu.memory_space<hbm>> -> memref<80x128xf32, #tpu.memory_space<hbm>>
    %dma_wait3A_479 = arith.constant 0 : i32
    %dma_wait3A_480 = tpu.memref_slice %arg6[%add3A_337, %dma_wait3A_479] : memref<12800x128xf32, #tpu.memory_space<hbm>> -> memref<80x128xf32, #tpu.memory_space<hbm>>
    %dma_wait3A_481 = arith.constant 0 : i32
    %dma_wait3A_482 = arith.constant 0 : i32
    %dma_wait3A_483 = tpu.memref_slice %arg9[%dma_wait3A_472, %dma_wait3A_481, %dma_wait3A_482] : memref<3x80x128xf32, #tpu.memory_space<vmem>> -> memref<1x80x128xf32, #tpu.memory_space<vmem>>
    %dma_wait3A_484 = tpu.memref_squeeze %dma_wait3A_483 : memref<1x80x128xf32, #tpu.memory_space<vmem>> -> memref<80x128xf32, #tpu.memory_space<vmem>>
    tpu.wait_dma2 semaphore(%arg16 : memref<!tpu.dma_semaphore, #tpu.memory_space<semaphore_mem>>) src(%dma_wait3A_484 : memref<80x128xf32, #tpu.memory_space<vmem>>) dst(%dma_wait3A_480 : memref<80x128xf32, #tpu.memory_space<hbm>>)
    %dma_wait3A_485 = arith.constant 0 : i32
    %dma_wait3A_486 = arith.constant 0 : i32
    %dma_wait3A_487 = arith.constant 0 : i32
    %dma_wait3A_488 = tpu.memref_slice %arg8[%dma_wait3A_485, %dma_wait3A_486, %dma_wait3A_487] : memref<3x80x256xf32, #tpu.memory_space<vmem>> -> memref<1x80x256xf32, #tpu.memory_space<vmem>>
    %dma_wait3A_489 = tpu.memref_squeeze %dma_wait3A_488 : memref<1x80x256xf32, #tpu.memory_space<vmem>> -> memref<80x256xf32, #tpu.memory_space<vmem>>
    %dma_wait3A_490 = arith.constant 0 : i32
    %dma_wait3A_491 = tpu.memref_slice %arg5[%add3A_376, %dma_wait3A_490] : memref<12800x256xf32, #tpu.memory_space<hbm>> -> memref<80x256xf32, #tpu.memory_space<hbm>>
    %dma_wait3A_492 = arith.constant 0 : i32
    %dma_wait3A_493 = tpu.memref_slice %arg5[%add3A_376, %dma_wait3A_492] : memref<12800x256xf32, #tpu.memory_space<hbm>> -> memref<80x256xf32, #tpu.memory_space<hbm>>
    %dma_wait3A_494 = arith.constant 0 : i32
    %dma_wait3A_495 = arith.constant 0 : i32
    %dma_wait3A_496 = tpu.memref_slice %arg8[%dma_wait3A_485, %dma_wait3A_494, %dma_wait3A_495] : memref<3x80x256xf32, #tpu.memory_space<vmem>> -> memref<1x80x256xf32, #tpu.memory_space<vmem>>
    %dma_wait3A_497 = tpu.memref_squeeze %dma_wait3A_496 : memref<1x80x256xf32, #tpu.memory_space<vmem>> -> memref<80x256xf32, #tpu.memory_space<vmem>>
    tpu.wait_dma2 semaphore(%arg14 : memref<!tpu.dma_semaphore, #tpu.memory_space<semaphore_mem>>) src(%dma_wait3A_497 : memref<80x256xf32, #tpu.memory_space<vmem>>) dst(%dma_wait3A_493 : memref<80x256xf32, #tpu.memory_space<hbm>>)
    %dma_wait3A_498 = arith.constant 0 : i32
    %dma_wait3A_499 = arith.constant 0 : i32
    %dma_wait3A_500 = arith.constant 0 : i32
    %dma_wait3A_501 = tpu.memref_slice %arg9[%dma_wait3A_498, %dma_wait3A_499, %dma_wait3A_500] : memref<3x80x128xf32, #tpu.memory_space<vmem>> -> memref<1x80x128xf32, #tpu.memory_space<vmem>>
    %dma_wait3A_502 = tpu.memref_squeeze %dma_wait3A_501 : memref<1x80x128xf32, #tpu.memory_space<vmem>> -> memref<80x128xf32, #tpu.memory_space<vmem>>
    %dma_wait3A_503 = arith.constant 0 : i32
    %dma_wait3A_504 = tpu.memref_slice %arg6[%add3A_391, %dma_wait3A_503] : memref<12800x128xf32, #tpu.memory_space<hbm>> -> memref<80x128xf32, #tpu.memory_space<hbm>>
    %dma_wait3A_505 = arith.constant 0 : i32
    %dma_wait3A_506 = tpu.memref_slice %arg6[%add3A_391, %dma_wait3A_505] : memref<12800x128xf32, #tpu.memory_space<hbm>> -> memref<80x128xf32, #tpu.memory_space<hbm>>
    %dma_wait3A_507 = arith.constant 0 : i32
    %dma_wait3A_508 = arith.constant 0 : i32
    %dma_wait3A_509 = tpu.memref_slice %arg9[%dma_wait3A_498, %dma_wait3A_507, %dma_wait3A_508] : memref<3x80x128xf32, #tpu.memory_space<vmem>> -> memref<1x80x128xf32, #tpu.memory_space<vmem>>
    %dma_wait3A_510 = tpu.memref_squeeze %dma_wait3A_509 : memref<1x80x128xf32, #tpu.memory_space<vmem>> -> memref<80x128xf32, #tpu.memory_space<vmem>>
    tpu.wait_dma2 semaphore(%arg14 : memref<!tpu.dma_semaphore, #tpu.memory_space<semaphore_mem>>) src(%dma_wait3A_510 : memref<80x128xf32, #tpu.memory_space<vmem>>) dst(%dma_wait3A_506 : memref<80x128xf32, #tpu.memory_space<hbm>>)
    %dma_wait3A_511 = arith.constant 1 : i32
    %dma_wait3A_512 = arith.constant 0 : i32
    %dma_wait3A_513 = arith.constant 0 : i32
    %dma_wait3A_514 = tpu.memref_slice %arg8[%dma_wait3A_511, %dma_wait3A_512, %dma_wait3A_513] : memref<3x80x256xf32, #tpu.memory_space<vmem>> -> memref<1x80x256xf32, #tpu.memory_space<vmem>>
    %dma_wait3A_515 = tpu.memref_squeeze %dma_wait3A_514 : memref<1x80x256xf32, #tpu.memory_space<vmem>> -> memref<80x256xf32, #tpu.memory_space<vmem>>
    %dma_wait3A_516 = arith.constant 0 : i32
    %dma_wait3A_517 = tpu.memref_slice %arg5[%add3A_430, %dma_wait3A_516] : memref<12800x256xf32, #tpu.memory_space<hbm>> -> memref<80x256xf32, #tpu.memory_space<hbm>>
    %dma_wait3A_518 = arith.constant 0 : i32
    %dma_wait3A_519 = tpu.memref_slice %arg5[%add3A_430, %dma_wait3A_518] : memref<12800x256xf32, #tpu.memory_space<hbm>> -> memref<80x256xf32, #tpu.memory_space<hbm>>
    %dma_wait3A_520 = arith.constant 0 : i32
    %dma_wait3A_521 = arith.constant 0 : i32
    %dma_wait3A_522 = tpu.memref_slice %arg8[%dma_wait3A_511, %dma_wait3A_520, %dma_wait3A_521] : memref<3x80x256xf32, #tpu.memory_space<vmem>> -> memref<1x80x256xf32, #tpu.memory_space<vmem>>
    %dma_wait3A_523 = tpu.memref_squeeze %dma_wait3A_522 : memref<1x80x256xf32, #tpu.memory_space<vmem>> -> memref<80x256xf32, #tpu.memory_space<vmem>>
    tpu.wait_dma2 semaphore(%arg15 : memref<!tpu.dma_semaphore, #tpu.memory_space<semaphore_mem>>) src(%dma_wait3A_523 : memref<80x256xf32, #tpu.memory_space<vmem>>) dst(%dma_wait3A_519 : memref<80x256xf32, #tpu.memory_space<hbm>>)
    %dma_wait3A_524 = arith.constant 1 : i32
    %dma_wait3A_525 = arith.constant 0 : i32
    %dma_wait3A_526 = arith.constant 0 : i32
    %dma_wait3A_527 = tpu.memref_slice %arg9[%dma_wait3A_524, %dma_wait3A_525, %dma_wait3A_526] : memref<3x80x128xf32, #tpu.memory_space<vmem>> -> memref<1x80x128xf32, #tpu.memory_space<vmem>>
    %dma_wait3A_528 = tpu.memref_squeeze %dma_wait3A_527 : memref<1x80x128xf32, #tpu.memory_space<vmem>> -> memref<80x128xf32, #tpu.memory_space<vmem>>
    %dma_wait3A_529 = arith.constant 0 : i32
    %dma_wait3A_530 = tpu.memref_slice %arg6[%add3A_445, %dma_wait3A_529] : memref<12800x128xf32, #tpu.memory_space<hbm>> -> memref<80x128xf32, #tpu.memory_space<hbm>>
    %dma_wait3A_531 = arith.constant 0 : i32
    %dma_wait3A_532 = tpu.memref_slice %arg6[%add3A_445, %dma_wait3A_531] : memref<12800x128xf32, #tpu.memory_space<hbm>> -> memref<80x128xf32, #tpu.memory_space<hbm>>
    %dma_wait3A_533 = arith.constant 0 : i32
    %dma_wait3A_534 = arith.constant 0 : i32
    %dma_wait3A_535 = tpu.memref_slice %arg9[%dma_wait3A_524, %dma_wait3A_533, %dma_wait3A_534] : memref<3x80x128xf32, #tpu.memory_space<vmem>> -> memref<1x80x128xf32, #tpu.memory_space<vmem>>
    %dma_wait3A_536 = tpu.memref_squeeze %dma_wait3A_535 : memref<1x80x128xf32, #tpu.memory_space<vmem>> -> memref<80x128xf32, #tpu.memory_space<vmem>>
    tpu.wait_dma2 semaphore(%arg15 : memref<!tpu.dma_semaphore, #tpu.memory_space<semaphore_mem>>) src(%dma_wait3A_536 : memref<80x128xf32, #tpu.memory_space<vmem>>) dst(%dma_wait3A_532 : memref<80x128xf32, #tpu.memory_space<hbm>>)
    return
  }
}

module attributes {stable_mosaic.version = 14 : i64} {
  func.func @body(%arg0: i32, %arg1: memref<2000x128xf32, #tpu.memory_space<vmem>>, %arg2: memref<2000x128xf32, #tpu.memory_space<vmem>>) attributes {dimension_semantics = [#tpu.dimension_semantics<arbitrary>], iteration_bounds = array<i64: 50>, scalar_prefetch = 0 : i64, scratch_operands = 0 : i64, tpu.core_type = #tpu.core_type<tc>, window_params = [{transform_indices = @transform_0, window_bounds = array<i64: 2000, 128>}, {transform_indices = @transform_1, window_bounds = array<i64: 2000, 128>}]} {
    %get3A = arith.constant 0 : index
    %get3A_0 = arith.constant 0 : index
    %get3A_1 = vector.load %arg1[%get3A, %get3A_0] : memref<2000x128xf32, #tpu.memory_space<vmem>>, vector<2000x128xf32>
    %iota3A = tpu.iota {dimensions = array<i32: 1>} : vector<2000x128xi32>
    %lt3A = arith.constant 44 : i32
    %lt3A_2 = vector.broadcast %lt3A : i32 to vector<2000x128xi32>
    %lt3A_3 = arith.cmpi slt, %iota3A, %lt3A_2 : vector<2000x128xi32>
    %jit3A = arith.constant 0.000000e+00 : f32
    %broadcast_in_dim3A = vector.broadcast %jit3A : f32 to vector<2000x128xf32>
    %select_n3A = arith.select %lt3A_3, %get3A_1, %broadcast_in_dim3A : vector<2000x128xi1>, vector<2000x128xf32>
    %swap3A = arith.constant 0 : index
    %swap3A_4 = arith.constant 0 : index
    %swap3A_5 = vector.load %arg2[%swap3A, %swap3A_4] : memref<2000x128xf32, #tpu.memory_space<vmem>>, vector<2000x128xf32>
    tpu.vector_store %arg2[%swap3A, %swap3A_4], %select_n3A {strides = array<i32>} : memref<2000x128xf32, #tpu.memory_space<vmem>>, vector<2000x128xf32>,
    return
  }
  func.func @transform_0(%arg0: i32) -> (i32, i32) {
    %c2_i32 = arith.constant 2 : i32
    %c0_i32 = arith.constant 0 : i32
    return %arg0, %c2_i32 : i32, i32
  }
  func.func @transform_1(%arg0: i32) -> (i32, i32) {
    %c0_i32 = arith.constant 0 : i32
    %c0_i32_0 = arith.constant 0 : i32
    return %arg0, %c0_i32 : i32, i32
  }
}

module attributes {stable_mosaic.version = 14 : i64} {
  func.func @_tc_body(%arg0: i32, %arg1: memref<200x256xf32, #tpu.memory_space<vmem>>, %arg2: memref<200x128xf32, #tpu.memory_space<vmem>>, %arg3: memref<200x2048xf32, #tpu.memory_space<vmem>>, %arg4: memref<200x1xf32, #tpu.memory_space<vmem>>, %arg5: memref<256x768xbf16, #tpu.memory_space<vmem>>, %arg6: memref<128x768xbf16, #tpu.memory_space<vmem>>, %arg7: memref<1x768xf32, #tpu.memory_space<vmem>>, %arg8: memref<1x768xf32, #tpu.memory_space<vmem>>, %arg9: memref<1x768xf32, #tpu.memory_space<vmem>>, %arg10: memref<1x768xf32, #tpu.memory_space<vmem>>, %arg11: memref<2048x768xbf16, #tpu.memory_space<vmem>>, %arg12: memref<1x768xf32, #tpu.memory_space<vmem>>, %arg13: memref<1x768xf32, #tpu.memory_space<vmem>>, %arg14: memref<1x768xf32, #tpu.memory_space<vmem>>, %arg15: memref<1x768xf32, #tpu.memory_space<vmem>>, %arg16: memref<2x768xf32, #tpu.memory_space<vmem>>, %arg17: memref<200x768xf32, #tpu.memory_space<vmem>>, %arg18: memref<1x768xf32, #tpu.memory_space<vmem>>, %arg19: memref<1x768xf32, #tpu.memory_space<vmem>>, %arg20: memref<200x768xf32, #tpu.memory_space<vmem>>) attributes {dimension_semantics = [#tpu.dimension_semantics<arbitrary>], iteration_bounds = array<i64: 64>, scalar_prefetch = 0 : i64, scratch_operands = 0 : i64, tpu.core_type = #tpu.core_type<tc>, window_params = [{transform_indices = @transform_0, window_bounds = array<i64: 200, 256>}, {transform_indices = @transform_1, window_bounds = array<i64: 200, 128>}, {transform_indices = @transform_2, window_bounds = array<i64: 200, 2048>}, {transform_indices = @transform_3, window_bounds = array<i64: 200, 1>}, {pipeline_mode = #tpu.pipeline_mode<synchronous>, transform_indices = @transform_4, window_bounds = array<i64: 256, 768>}, {pipeline_mode = #tpu.pipeline_mode<synchronous>, transform_indices = @transform_5, window_bounds = array<i64: 128, 768>}, {pipeline_mode = #tpu.pipeline_mode<synchronous>, transform_indices = @transform_6, window_bounds = array<i64: 1, 768>}, {pipeline_mode = #tpu.pipeline_mode<synchronous>, transform_indices = @transform_7, window_bounds = array<i64: 1, 768>}, {pipeline_mode = #tpu.pipeline_mode<synchronous>, transform_indices = @transform_8, window_bounds = array<i64: 1, 768>}, {pipeline_mode = #tpu.pipeline_mode<synchronous>, transform_indices = @transform_9, window_bounds = array<i64: 1, 768>}, {pipeline_mode = #tpu.pipeline_mode<synchronous>, transform_indices = @transform_10, window_bounds = array<i64: 2048, 768>}, {pipeline_mode = #tpu.pipeline_mode<synchronous>, transform_indices = @transform_11, window_bounds = array<i64: 1, 768>}, {pipeline_mode = #tpu.pipeline_mode<synchronous>, transform_indices = @transform_12, window_bounds = array<i64: 1, 768>}, {pipeline_mode = #tpu.pipeline_mode<synchronous>, transform_indices = @transform_13, window_bounds = array<i64: 1, 768>}, {pipeline_mode = #tpu.pipeline_mode<synchronous>, transform_indices = @transform_14, window_bounds = array<i64: 1, 768>}, {pipeline_mode = #tpu.pipeline_mode<synchronous>, transform_indices = @transform_15, window_bounds = array<i64: 2, 768>}, {pipeline_mode = #tpu.pipeline_mode<synchronous>, transform_indices = @transform_16, window_bounds = array<i64: 200, 768>}, {pipeline_mode = #tpu.pipeline_mode<synchronous>, transform_indices = @transform_17, window_bounds = array<i64: 1, 768>}, {pipeline_mode = #tpu.pipeline_mode<synchronous>, transform_indices = @transform_18, window_bounds = array<i64: 1, 768>}, {transform_indices = @transform_19, window_bounds = array<i64: 200, 768>}]} {
    %get3A = arith.constant 0 : index
    %get3A_0 = arith.constant 0 : index
    %get3A_1 = vector.load %arg1[%get3A, %get3A_0] : memref<200x256xf32, #tpu.memory_space<vmem>>, vector<200x256xf32>
    %get3A_2 = arith.constant 0 : index
    %get3A_3 = arith.constant 0 : index
    %get3A_4 = vector.load %arg2[%get3A_2, %get3A_3] : memref<200x128xf32, #tpu.memory_space<vmem>>, vector<200x128xf32>
    %convert_element_type3A = arith.truncf %get3A_1 : vector<200x256xf32> to vector<200x256xbf16>
    %get3A_5 = arith.constant 0 : index
    %get3A_6 = arith.constant 0 : index
    %get3A_7 = vector.load %arg5[%get3A_5, %get3A_6] : memref<256x768xbf16, #tpu.memory_space<vmem>>, vector<256x768xbf16>
    %dot_general3A = arith.constant dense<0.000000e+00> : vector<200x768xf32>
    %dot_general3A_8 = tpu.matmul %convert_element_type3A, %get3A_7, %dot_general3A {dimension_numbers = #tpu.dot_dimension_numbers<[1], [0], [0], [1], [0, 0, 1, 1], [], []>, transpose_lhs_hint = false} : vector<200x256xbf16>, vector<256x768xbf16>, vector<200x768xf32> -> vector<200x768xf32>
    %convert_element_type3A_9 = arith.truncf %get3A_4 : vector<200x128xf32> to vector<200x128xbf16>
    %get3A_10 = arith.constant 0 : index
    %get3A_11 = arith.constant 0 : index
    %get3A_12 = vector.load %arg6[%get3A_10, %get3A_11] : memref<128x768xbf16, #tpu.memory_space<vmem>>, vector<128x768xbf16>
    %dot_general3A_13 = arith.constant dense<0.000000e+00> : vector<200x768xf32>
    %dot_general3A_14 = tpu.matmul %convert_element_type3A_9, %get3A_12, %dot_general3A_13 {dimension_numbers = #tpu.dot_dimension_numbers<[1], [0], [0], [1], [0, 0, 1, 1], [], []>, transpose_lhs_hint = false} : vector<200x128xbf16>, vector<128x768xbf16>, vector<200x768xf32> -> vector<200x768xf32>
    %add3A = arith.addf %dot_general3A_8, %dot_general3A_14 : vector<200x768xf32>
    %get3A_15 = arith.constant 0 : index
    %get3A_16 = arith.constant 0 : index
    %get3A_17 = vector.load %arg7[%get3A_15, %get3A_16] : memref<1x768xf32, #tpu.memory_space<vmem>>, vector<1x768xf32>
    %get3A_18 = arith.constant 0 : index
    %get3A_19 = arith.constant 0 : index
    %get3A_20 = vector.load %arg8[%get3A_18, %get3A_19] : memref<1x768xf32, #tpu.memory_space<vmem>>, vector<1x768xf32>
    %get3A_21 = arith.constant 0 : index
    %get3A_22 = arith.constant 0 : index
    %get3A_23 = vector.load %arg9[%get3A_21, %get3A_22] : memref<1x768xf32, #tpu.memory_space<vmem>>, vector<1x768xf32>
    %get3A_24 = arith.constant 0 : index
    %get3A_25 = arith.constant 0 : index
    %get3A_26 = vector.load %arg10[%get3A_24, %get3A_25] : memref<1x768xf32, #tpu.memory_space<vmem>>, vector<1x768xf32>
    %reduce_sum3A = arith.constant dense<0.000000e+00> : vector<200xf32>
    %reduce_sum3A_27 = vector.multi_reduction <add>, %get3A_1, %reduce_sum3A [1] : vector<200x256xf32> to vector<200xf32>
    %broadcast_in_dim3A = vector.shape_cast %reduce_sum3A_27 : vector<200xf32> to vector<200x1xf32>
    %add3A_28 = arith.constant 0.000000e+00 : f32
    %add3A_29 = vector.broadcast %add3A_28 : f32 to vector<200x1xf32>
    %add3A_30 = arith.addf %add3A_29, %broadcast_in_dim3A : vector<200x1xf32>
    %reduce_sum3A_31 = arith.constant dense<0.000000e+00> : vector<200xf32>
    %reduce_sum3A_32 = vector.multi_reduction <add>, %get3A_4, %reduce_sum3A_31 [1] : vector<200x128xf32> to vector<200xf32>
    %broadcast_in_dim3A_33 = vector.shape_cast %reduce_sum3A_32 : vector<200xf32> to vector<200x1xf32>
    %add3A_34 = arith.addf %add3A_30, %broadcast_in_dim3A_33 : vector<200x1xf32>
    %mul3A = arith.mulf %get3A_1, %get3A_1 : vector<200x256xf32>
    %reduce_sum3A_35 = arith.constant dense<0.000000e+00> : vector<200xf32>
    %reduce_sum3A_36 = vector.multi_reduction <add>, %mul3A, %reduce_sum3A_35 [1] : vector<200x256xf32> to vector<200xf32>
    %broadcast_in_dim3A_37 = vector.shape_cast %reduce_sum3A_36 : vector<200xf32> to vector<200x1xf32>
    %add3A_38 = arith.constant 0.000000e+00 : f32
    %add3A_39 = vector.broadcast %add3A_38 : f32 to vector<200x1xf32>
    %add3A_40 = arith.addf %add3A_39, %broadcast_in_dim3A_37 : vector<200x1xf32>
    %mul3A_41 = arith.mulf %get3A_4, %get3A_4 : vector<200x128xf32>
    %reduce_sum3A_42 = arith.constant dense<0.000000e+00> : vector<200xf32>
    %reduce_sum3A_43 = vector.multi_reduction <add>, %mul3A_41, %reduce_sum3A_42 [1] : vector<200x128xf32> to vector<200xf32>
    %broadcast_in_dim3A_44 = vector.shape_cast %reduce_sum3A_43 : vector<200xf32> to vector<200x1xf32>
    %add3A_45 = arith.addf %add3A_40, %broadcast_in_dim3A_44 : vector<200x1xf32>
    %div3A = arith.constant 3.000000e+02 : f32
    %div3A_46 = vector.broadcast %div3A : f32 to vector<200x1xf32>
    %div3A_47 = arith.divf %add3A_34, %div3A_46 : vector<200x1xf32>
    %div3A_48 = arith.constant 3.000000e+02 : f32
    %div3A_49 = vector.broadcast %div3A_48 : f32 to vector<200x1xf32>
    %div3A_50 = arith.divf %add3A_45, %div3A_49 : vector<200x1xf32>
    %mul3A_51 = arith.mulf %div3A_47, %div3A_47 : vector<200x1xf32>
    %sub3A = arith.subf %div3A_50, %mul3A_51 : vector<200x1xf32>
    %max3A = arith.constant 0.000000e+00 : f32
    %max3A_52 = vector.broadcast %max3A : f32 to vector<200x1xf32>
    %max3A_53 = arith.maximumf %sub3A, %max3A_52 : vector<200x1xf32>
    %add3A_54 = arith.constant 9.99999996E-13 : f32
    %add3A_55 = vector.broadcast %add3A_54 : f32 to vector<200x1xf32>
    %add3A_56 = arith.addf %max3A_53, %add3A_55 : vector<200x1xf32>
    %rsqrt3A = math.rsqrt %add3A_56 : vector<200x1xf32>
    %mul3A_57 = vector.broadcast %rsqrt3A : vector<200x1xf32> to vector<200x768xf32>
    %mul3A_58 = arith.mulf %mul3A_57, %add3A : vector<200x768xf32>
    %mul3A_59 = arith.mulf %rsqrt3A, %div3A_47 : vector<200x1xf32>
    %mul3A_60 = vector.broadcast %mul3A_59 : vector<200x1xf32> to vector<200x768xf32>
    %mul3A_61 = vector.broadcast %get3A_17 : vector<1x768xf32> to vector<200x768xf32>
    %mul3A_62 = arith.mulf %mul3A_60, %mul3A_61 : vector<200x768xf32>
    %sub3A_63 = arith.subf %mul3A_58, %mul3A_62 : vector<200x768xf32>
    %add3A_64 = vector.broadcast %get3A_20 : vector<1x768xf32> to vector<200x768xf32>
    %add3A_65 = arith.addf %sub3A_63, %add3A_64 : vector<200x768xf32>
    %max3A_66 = arith.constant 0.000000e+00 : f32
    %max3A_67 = vector.broadcast %max3A_66 : f32 to vector<200x768xf32>
    %max3A_68 = arith.maximumf %add3A_65, %max3A_67 : vector<200x768xf32>
    %reduce_sum3A_69 = arith.constant dense<0.000000e+00> : vector<200xf32>
    %reduce_sum3A_70 = vector.multi_reduction <add>, %max3A_68, %reduce_sum3A_69 [1] : vector<200x768xf32> to vector<200xf32>
    %broadcast_in_dim3A_71 = vector.shape_cast %reduce_sum3A_70 : vector<200xf32> to vector<200x1xf32>
    %div3A_72 = arith.constant 7.680000e+02 : f32
    %div3A_73 = vector.broadcast %div3A_72 : f32 to vector<200x1xf32>
    %div3A_74 = arith.divf %broadcast_in_dim3A_71, %div3A_73 : vector<200x1xf32>
    %mul3A_75 = arith.mulf %max3A_68, %max3A_68 : vector<200x768xf32>
    %reduce_sum3A_76 = arith.constant dense<0.000000e+00> : vector<200xf32>
    %reduce_sum3A_77 = vector.multi_reduction <add>, %mul3A_75, %reduce_sum3A_76 [1] : vector<200x768xf32> to vector<200xf32>
    %broadcast_in_dim3A_78 = vector.shape_cast %reduce_sum3A_77 : vector<200xf32> to vector<200x1xf32>
    %div3A_79 = arith.constant 7.680000e+02 : f32
    %div3A_80 = vector.broadcast %div3A_79 : f32 to vector<200x1xf32>
    %div3A_81 = arith.divf %broadcast_in_dim3A_78, %div3A_80 : vector<200x1xf32>
    %mul3A_82 = arith.mulf %div3A_74, %div3A_74 : vector<200x1xf32>
    %sub3A_83 = arith.subf %div3A_81, %mul3A_82 : vector<200x1xf32>
    %max3A_84 = arith.constant 0.000000e+00 : f32
    %max3A_85 = vector.broadcast %max3A_84 : f32 to vector<200x1xf32>
    %max3A_86 = arith.maximumf %sub3A_83, %max3A_85 : vector<200x1xf32>
    %add3A_87 = arith.constant 9.99999996E-13 : f32
    %add3A_88 = vector.broadcast %add3A_87 : f32 to vector<200x1xf32>
    %add3A_89 = arith.addf %max3A_86, %add3A_88 : vector<200x1xf32>
    %rsqrt3A_90 = math.rsqrt %add3A_89 : vector<200x1xf32>
    %sub3A_91 = vector.broadcast %div3A_74 : vector<200x1xf32> to vector<200x768xf32>
    %sub3A_92 = arith.subf %max3A_68, %sub3A_91 : vector<200x768xf32>
    %mul3A_93 = vector.broadcast %rsqrt3A_90 : vector<200x1xf32> to vector<200x768xf32>
    %mul3A_94 = arith.mulf %sub3A_92, %mul3A_93 : vector<200x768xf32>
    %mul3A_95 = vector.broadcast %get3A_23 : vector<1x768xf32> to vector<200x768xf32>
    %mul3A_96 = arith.mulf %mul3A_94, %mul3A_95 : vector<200x768xf32>
    %add3A_97 = vector.broadcast %get3A_26 : vector<1x768xf32> to vector<200x768xf32>
    %add3A_98 = arith.addf %mul3A_96, %add3A_97 : vector<200x768xf32>
    %get3A_99 = arith.constant 0 : index
    %get3A_100 = arith.constant 0 : index
    %get3A_101 = vector.load %arg3[%get3A_99, %get3A_100] : memref<200x2048xf32, #tpu.memory_space<vmem>>, vector<200x2048xf32>
    %convert_element_type3A_102 = arith.truncf %get3A_101 : vector<200x2048xf32> to vector<200x2048xbf16>
    %get3A_103 = arith.constant 0 : index
    %get3A_104 = arith.constant 0 : index
    %get3A_105 = vector.load %arg11[%get3A_103, %get3A_104] : memref<2048x768xbf16, #tpu.memory_space<vmem>>, vector<2048x768xbf16>
    %dot_general3A_106 = arith.constant dense<0.000000e+00> : vector<200x768xf32>
    %dot_general3A_107 = tpu.matmul %convert_element_type3A_102, %get3A_105, %dot_general3A_106 {dimension_numbers = #tpu.dot_dimension_numbers<[1], [0], [0], [1], [0, 0, 1, 1], [], []>, transpose_lhs_hint = false} : vector<200x2048xbf16>, vector<2048x768xbf16>, vector<200x768xf32> -> vector<200x768xf32>
    %get3A_108 = arith.constant 0 : index
    %get3A_109 = arith.constant 0 : index
    %get3A_110 = vector.load %arg12[%get3A_108, %get3A_109] : memref<1x768xf32, #tpu.memory_space<vmem>>, vector<1x768xf32>
    %get3A_111 = arith.constant 0 : index
    %get3A_112 = arith.constant 0 : index
    %get3A_113 = vector.load %arg13[%get3A_111, %get3A_112] : memref<1x768xf32, #tpu.memory_space<vmem>>, vector<1x768xf32>
    %get3A_114 = arith.constant 0 : index
    %get3A_115 = arith.constant 0 : index
    %get3A_116 = vector.load %arg14[%get3A_114, %get3A_115] : memref<1x768xf32, #tpu.memory_space<vmem>>, vector<1x768xf32>
    %get3A_117 = arith.constant 0 : index
    %get3A_118 = arith.constant 0 : index
    %get3A_119 = vector.load %arg15[%get3A_117, %get3A_118] : memref<1x768xf32, #tpu.memory_space<vmem>>, vector<1x768xf32>
    %reduce_sum3A_120 = arith.constant dense<0.000000e+00> : vector<200xf32>
    %reduce_sum3A_121 = vector.multi_reduction <add>, %get3A_101, %reduce_sum3A_120 [1] : vector<200x2048xf32> to vector<200xf32>
    %broadcast_in_dim3A_122 = vector.shape_cast %reduce_sum3A_121 : vector<200xf32> to vector<200x1xf32>
    %add3A_123 = arith.constant 0.000000e+00 : f32
    %add3A_124 = vector.broadcast %add3A_123 : f32 to vector<200x1xf32>
    %add3A_125 = arith.addf %add3A_124, %broadcast_in_dim3A_122 : vector<200x1xf32>
    %mul3A_126 = arith.mulf %get3A_101, %get3A_101 : vector<200x2048xf32>
    %reduce_sum3A_127 = arith.constant dense<0.000000e+00> : vector<200xf32>
    %reduce_sum3A_128 = vector.multi_reduction <add>, %mul3A_126, %reduce_sum3A_127 [1] : vector<200x2048xf32> to vector<200xf32>
    %broadcast_in_dim3A_129 = vector.shape_cast %reduce_sum3A_128 : vector<200xf32> to vector<200x1xf32>
    %add3A_130 = arith.constant 0.000000e+00 : f32
    %add3A_131 = vector.broadcast %add3A_130 : f32 to vector<200x1xf32>
    %add3A_132 = arith.addf %add3A_131, %broadcast_in_dim3A_129 : vector<200x1xf32>
    %div3A_133 = arith.constant 2.048000e+03 : f32
    %div3A_134 = vector.broadcast %div3A_133 : f32 to vector<200x1xf32>
    %div3A_135 = arith.divf %add3A_125, %div3A_134 : vector<200x1xf32>
    %div3A_136 = arith.constant 2.048000e+03 : f32
    %div3A_137 = vector.broadcast %div3A_136 : f32 to vector<200x1xf32>
    %div3A_138 = arith.divf %add3A_132, %div3A_137 : vector<200x1xf32>
    %mul3A_139 = arith.mulf %div3A_135, %div3A_135 : vector<200x1xf32>
    %sub3A_140 = arith.subf %div3A_138, %mul3A_139 : vector<200x1xf32>
    %max3A_141 = arith.constant 0.000000e+00 : f32
    %max3A_142 = vector.broadcast %max3A_141 : f32 to vector<200x1xf32>
    %max3A_143 = arith.maximumf %sub3A_140, %max3A_142 : vector<200x1xf32>
    %add3A_144 = arith.constant 9.99999996E-13 : f32
    %add3A_145 = vector.broadcast %add3A_144 : f32 to vector<200x1xf32>
    %add3A_146 = arith.addf %max3A_143, %add3A_145 : vector<200x1xf32>
    %rsqrt3A_147 = math.rsqrt %add3A_146 : vector<200x1xf32>
    %mul3A_148 = vector.broadcast %rsqrt3A_147 : vector<200x1xf32> to vector<200x768xf32>
    %mul3A_149 = arith.mulf %mul3A_148, %dot_general3A_107 : vector<200x768xf32>
    %mul3A_150 = arith.mulf %rsqrt3A_147, %div3A_135 : vector<200x1xf32>
    %mul3A_151 = vector.broadcast %mul3A_150 : vector<200x1xf32> to vector<200x768xf32>
    %mul3A_152 = vector.broadcast %get3A_110 : vector<1x768xf32> to vector<200x768xf32>
    %mul3A_153 = arith.mulf %mul3A_151, %mul3A_152 : vector<200x768xf32>
    %sub3A_154 = arith.subf %mul3A_149, %mul3A_153 : vector<200x768xf32>
    %add3A_155 = vector.broadcast %get3A_113 : vector<1x768xf32> to vector<200x768xf32>
    %add3A_156 = arith.addf %sub3A_154, %add3A_155 : vector<200x768xf32>
    %max3A_157 = arith.constant 0.000000e+00 : f32
    %max3A_158 = vector.broadcast %max3A_157 : f32 to vector<200x768xf32>
    %max3A_159 = arith.maximumf %add3A_156, %max3A_158 : vector<200x768xf32>
    %reduce_sum3A_160 = arith.constant dense<0.000000e+00> : vector<200xf32>
    %reduce_sum3A_161 = vector.multi_reduction <add>, %max3A_159, %reduce_sum3A_160 [1] : vector<200x768xf32> to vector<200xf32>
    %broadcast_in_dim3A_162 = vector.shape_cast %reduce_sum3A_161 : vector<200xf32> to vector<200x1xf32>
    %div3A_163 = arith.constant 7.680000e+02 : f32
    %div3A_164 = vector.broadcast %div3A_163 : f32 to vector<200x1xf32>
    %div3A_165 = arith.divf %broadcast_in_dim3A_162, %div3A_164 : vector<200x1xf32>
    %mul3A_166 = arith.mulf %max3A_159, %max3A_159 : vector<200x768xf32>
    %reduce_sum3A_167 = arith.constant dense<0.000000e+00> : vector<200xf32>
    %reduce_sum3A_168 = vector.multi_reduction <add>, %mul3A_166, %reduce_sum3A_167 [1] : vector<200x768xf32> to vector<200xf32>
    %broadcast_in_dim3A_169 = vector.shape_cast %reduce_sum3A_168 : vector<200xf32> to vector<200x1xf32>
    %div3A_170 = arith.constant 7.680000e+02 : f32
    %div3A_171 = vector.broadcast %div3A_170 : f32 to vector<200x1xf32>
    %div3A_172 = arith.divf %broadcast_in_dim3A_169, %div3A_171 : vector<200x1xf32>
    %mul3A_173 = arith.mulf %div3A_165, %div3A_165 : vector<200x1xf32>
    %sub3A_174 = arith.subf %div3A_172, %mul3A_173 : vector<200x1xf32>
    %max3A_175 = arith.constant 0.000000e+00 : f32
    %max3A_176 = vector.broadcast %max3A_175 : f32 to vector<200x1xf32>
    %max3A_177 = arith.maximumf %sub3A_174, %max3A_176 : vector<200x1xf32>
    %add3A_178 = arith.constant 9.99999996E-13 : f32
    %add3A_179 = vector.broadcast %add3A_178 : f32 to vector<200x1xf32>
    %add3A_180 = arith.addf %max3A_177, %add3A_179 : vector<200x1xf32>
    %rsqrt3A_181 = math.rsqrt %add3A_180 : vector<200x1xf32>
    %sub3A_182 = vector.broadcast %div3A_165 : vector<200x1xf32> to vector<200x768xf32>
    %sub3A_183 = arith.subf %max3A_159, %sub3A_182 : vector<200x768xf32>
    %mul3A_184 = vector.broadcast %rsqrt3A_181 : vector<200x1xf32> to vector<200x768xf32>
    %mul3A_185 = arith.mulf %sub3A_183, %mul3A_184 : vector<200x768xf32>
    %mul3A_186 = vector.broadcast %get3A_116 : vector<1x768xf32> to vector<200x768xf32>
    %mul3A_187 = arith.mulf %mul3A_185, %mul3A_186 : vector<200x768xf32>
    %add3A_188 = vector.broadcast %get3A_119 : vector<1x768xf32> to vector<200x768xf32>
    %add3A_189 = arith.addf %mul3A_187, %add3A_188 : vector<200x768xf32>
    %get3A_190 = arith.constant 0 : index
    %get3A_191 = arith.constant 0 : index
    %get3A_192 = vector.load %arg4[%get3A_190, %get3A_191] : memref<200x1xf32, #tpu.memory_space<vmem>>, vector<200x1xf32>
    %get3A_193 = arith.constant 0 : index
    %get3A_194 = arith.constant 0 : index
    %get3A_195 = vector.load %arg16[%get3A_193, %get3A_194] : memref<2x768xf32, #tpu.memory_space<vmem>>, vector<2x768xf32>
    %slice3A = vector.extract_strided_slice %get3A_195 {offsets = [1, 0], sizes = [1, 768], strides = [1, 1]} : vector<2x768xf32> to vector<1x768xf32>
    %mul3A_196 = vector.broadcast %get3A_192 : vector<200x1xf32> to vector<200x768xf32>
    %mul3A_197 = vector.broadcast %slice3A : vector<1x768xf32> to vector<200x768xf32>
    %mul3A_198 = arith.mulf %mul3A_196, %mul3A_197 : vector<200x768xf32>
    %sub3A_199 = arith.constant 1.000000e+00 : f32
    %sub3A_200 = vector.broadcast %sub3A_199 : f32 to vector<200x1xf32>
    %sub3A_201 = arith.subf %sub3A_200, %get3A_192 : vector<200x1xf32>
    %slice3A_202 = vector.extract_strided_slice %get3A_195 {offsets = [0, 0], sizes = [1, 768], strides = [1, 1]} : vector<2x768xf32> to vector<1x768xf32>
    %mul3A_203 = vector.broadcast %sub3A_201 : vector<200x1xf32> to vector<200x768xf32>
    %mul3A_204 = vector.broadcast %slice3A_202 : vector<1x768xf32> to vector<200x768xf32>
    %mul3A_205 = arith.mulf %mul3A_203, %mul3A_204 : vector<200x768xf32>
    %add3A_206 = arith.addf %mul3A_198, %mul3A_205 : vector<200x768xf32>
    %add3A_207 = arith.addf %add3A_98, %add3A_189 : vector<200x768xf32>
    %add3A_208 = arith.addf %add3A_207, %add3A_206 : vector<200x768xf32>
    %get3A_209 = arith.constant 0 : index
    %get3A_210 = arith.constant 0 : index
    %get3A_211 = vector.load %arg17[%get3A_209, %get3A_210] : memref<200x768xf32, #tpu.memory_space<vmem>>, vector<200x768xf32>
    %add3A_212 = arith.addf %add3A_208, %get3A_211 : vector<200x768xf32>
    %get3A_213 = arith.constant 0 : index
    %get3A_214 = arith.constant 0 : index
    %get3A_215 = vector.load %arg18[%get3A_213, %get3A_214] : memref<1x768xf32, #tpu.memory_space<vmem>>, vector<1x768xf32>
    %get3A_216 = arith.constant 0 : index
    %get3A_217 = arith.constant 0 : index
    %get3A_218 = vector.load %arg19[%get3A_216, %get3A_217] : memref<1x768xf32, #tpu.memory_space<vmem>>, vector<1x768xf32>
    %reduce_sum3A_219 = arith.constant dense<0.000000e+00> : vector<200xf32>
    %reduce_sum3A_220 = vector.multi_reduction <add>, %add3A_212, %reduce_sum3A_219 [1] : vector<200x768xf32> to vector<200xf32>
    %broadcast_in_dim3A_221 = vector.shape_cast %reduce_sum3A_220 : vector<200xf32> to vector<200x1xf32>
    %div3A_222 = arith.constant 7.680000e+02 : f32
    %div3A_223 = vector.broadcast %div3A_222 : f32 to vector<200x1xf32>
    %div3A_224 = arith.divf %broadcast_in_dim3A_221, %div3A_223 : vector<200x1xf32>
    %mul3A_225 = arith.mulf %add3A_212, %add3A_212 : vector<200x768xf32>
    %reduce_sum3A_226 = arith.constant dense<0.000000e+00> : vector<200xf32>
    %reduce_sum3A_227 = vector.multi_reduction <add>, %mul3A_225, %reduce_sum3A_226 [1] : vector<200x768xf32> to vector<200xf32>
    %broadcast_in_dim3A_228 = vector.shape_cast %reduce_sum3A_227 : vector<200xf32> to vector<200x1xf32>
    %div3A_229 = arith.constant 7.680000e+02 : f32
    %div3A_230 = vector.broadcast %div3A_229 : f32 to vector<200x1xf32>
    %div3A_231 = arith.divf %broadcast_in_dim3A_228, %div3A_230 : vector<200x1xf32>
    %mul3A_232 = arith.mulf %div3A_224, %div3A_224 : vector<200x1xf32>
    %sub3A_233 = arith.subf %div3A_231, %mul3A_232 : vector<200x1xf32>
    %max3A_234 = arith.constant 0.000000e+00 : f32
    %max3A_235 = vector.broadcast %max3A_234 : f32 to vector<200x1xf32>
    %max3A_236 = arith.maximumf %sub3A_233, %max3A_235 : vector<200x1xf32>
    %add3A_237 = arith.constant 9.99999996E-13 : f32
    %add3A_238 = vector.broadcast %add3A_237 : f32 to vector<200x1xf32>
    %add3A_239 = arith.addf %max3A_236, %add3A_238 : vector<200x1xf32>
    %rsqrt3A_240 = math.rsqrt %add3A_239 : vector<200x1xf32>
    %sub3A_241 = vector.broadcast %div3A_224 : vector<200x1xf32> to vector<200x768xf32>
    %sub3A_242 = arith.subf %add3A_212, %sub3A_241 : vector<200x768xf32>
    %mul3A_243 = vector.broadcast %rsqrt3A_240 : vector<200x1xf32> to vector<200x768xf32>
    %mul3A_244 = arith.mulf %sub3A_242, %mul3A_243 : vector<200x768xf32>
    %mul3A_245 = vector.broadcast %get3A_215 : vector<1x768xf32> to vector<200x768xf32>
    %mul3A_246 = arith.mulf %mul3A_244, %mul3A_245 : vector<200x768xf32>
    %add3A_247 = vector.broadcast %get3A_218 : vector<1x768xf32> to vector<200x768xf32>
    %add3A_248 = arith.addf %mul3A_246, %add3A_247 : vector<200x768xf32>
    %swap3A = arith.constant 0 : index
    %swap3A_249 = arith.constant 0 : index
    %swap3A_250 = vector.load %arg20[%swap3A, %swap3A_249] : memref<200x768xf32, #tpu.memory_space<vmem>>, vector<200x768xf32>
    tpu.vector_store %arg20[%swap3A, %swap3A_249], %add3A_248 {strides = array<i32>} : memref<200x768xf32, #tpu.memory_space<vmem>>, vector<200x768xf32>,
    return
  }
  func.func @transform_0(%arg0: i32) -> (i32, i32) {
    %c0_i32 = arith.constant 0 : i32
    %c0_i32_0 = arith.constant 0 : i32
    return %arg0, %c0_i32 : i32, i32
  }
  func.func @transform_1(%arg0: i32) -> (i32, i32) {
    %c0_i32 = arith.constant 0 : i32
    %c0_i32_0 = arith.constant 0 : i32
    return %arg0, %c0_i32 : i32, i32
  }
  func.func @transform_2(%arg0: i32) -> (i32, i32) {
    %c0_i32 = arith.constant 0 : i32
    %c0_i32_0 = arith.constant 0 : i32
    return %arg0, %c0_i32 : i32, i32
  }
  func.func @transform_3(%arg0: i32) -> (i32, i32) {
    %c0_i32 = arith.constant 0 : i32
    %c0_i32_0 = arith.constant 0 : i32
    return %arg0, %c0_i32 : i32, i32
  }
  func.func @transform_4(%arg0: i32) -> (i32, i32) {
    %c0_i32 = arith.constant 0 : i32
    %c0_i32_0 = arith.constant 0 : i32
    %c0_i32_1 = arith.constant 0 : i32
    return %c0_i32, %c0_i32_0 : i32, i32
  }
  func.func @transform_5(%arg0: i32) -> (i32, i32) {
    %c0_i32 = arith.constant 0 : i32
    %c0_i32_0 = arith.constant 0 : i32
    %c0_i32_1 = arith.constant 0 : i32
    return %c0_i32, %c0_i32_0 : i32, i32
  }
  func.func @transform_6(%arg0: i32) -> (i32, i32) {
    %c0_i32 = arith.constant 0 : i32
    %c0_i32_0 = arith.constant 0 : i32
    %c0_i32_1 = arith.constant 0 : i32
    return %c0_i32, %c0_i32_0 : i32, i32
  }
  func.func @transform_7(%arg0: i32) -> (i32, i32) {
    %c0_i32 = arith.constant 0 : i32
    %c0_i32_0 = arith.constant 0 : i32
    %c0_i32_1 = arith.constant 0 : i32
    return %c0_i32, %c0_i32_0 : i32, i32
  }
  func.func @transform_8(%arg0: i32) -> (i32, i32) {
    %c0_i32 = arith.constant 0 : i32
    %c0_i32_0 = arith.constant 0 : i32
    %c0_i32_1 = arith.constant 0 : i32
    return %c0_i32, %c0_i32_0 : i32, i32
  }
  func.func @transform_9(%arg0: i32) -> (i32, i32) {
    %c0_i32 = arith.constant 0 : i32
    %c0_i32_0 = arith.constant 0 : i32
    %c0_i32_1 = arith.constant 0 : i32
    return %c0_i32, %c0_i32_0 : i32, i32
  }
  func.func @transform_10(%arg0: i32) -> (i32, i32) {
    %c0_i32 = arith.constant 0 : i32
    %c0_i32_0 = arith.constant 0 : i32
    %c0_i32_1 = arith.constant 0 : i32
    return %c0_i32, %c0_i32_0 : i32, i32
  }
  func.func @transform_11(%arg0: i32) -> (i32, i32) {
    %c0_i32 = arith.constant 0 : i32
    %c0_i32_0 = arith.constant 0 : i32
    %c0_i32_1 = arith.constant 0 : i32
    return %c0_i32, %c0_i32_0 : i32, i32
  }
  func.func @transform_12(%arg0: i32) -> (i32, i32) {
    %c0_i32 = arith.constant 0 : i32
    %c0_i32_0 = arith.constant 0 : i32
    %c0_i32_1 = arith.constant 0 : i32
    return %c0_i32, %c0_i32_0 : i32, i32
  }
  func.func @transform_13(%arg0: i32) -> (i32, i32) {
    %c0_i32 = arith.constant 0 : i32
    %c0_i32_0 = arith.constant 0 : i32
    %c0_i32_1 = arith.constant 0 : i32
    return %c0_i32, %c0_i32_0 : i32, i32
  }
  func.func @transform_14(%arg0: i32) -> (i32, i32) {
    %c0_i32 = arith.constant 0 : i32
    %c0_i32_0 = arith.constant 0 : i32
    %c0_i32_1 = arith.constant 0 : i32
    return %c0_i32, %c0_i32_0 : i32, i32
  }
  func.func @transform_15(%arg0: i32) -> (i32, i32) {
    %c0_i32 = arith.constant 0 : i32
    %c0_i32_0 = arith.constant 0 : i32
    %c0_i32_1 = arith.constant 0 : i32
    return %c0_i32, %c0_i32_0 : i32, i32
  }
  func.func @transform_16(%arg0: i32) -> (i32, i32) {
    %c0_i32 = arith.constant 0 : i32
    %c0_i32_0 = arith.constant 0 : i32
    %c0_i32_1 = arith.constant 0 : i32
    return %c0_i32, %c0_i32_0 : i32, i32
  }
  func.func @transform_17(%arg0: i32) -> (i32, i32) {
    %c0_i32 = arith.constant 0 : i32
    %c0_i32_0 = arith.constant 0 : i32
    %c0_i32_1 = arith.constant 0 : i32
    return %c0_i32, %c0_i32_0 : i32, i32
  }
  func.func @transform_18(%arg0: i32) -> (i32, i32) {
    %c0_i32 = arith.constant 0 : i32
    %c0_i32_0 = arith.constant 0 : i32
    %c0_i32_1 = arith.constant 0 : i32
    return %c0_i32, %c0_i32_0 : i32, i32
  }
  func.func @transform_19(%arg0: i32) -> (i32, i32) {
    %c0_i32 = arith.constant 0 : i32
    %c0_i32_0 = arith.constant 0 : i32
    return %arg0, %c0_i32 : i32, i32
  }
}

</mosaic_0001>

<sc_bundles>
// kernel: kernel.5.cloned.1.call-start
scs
__scs_entry_jumppad:
0x0: {  	(pc) =	sbr.rel $0x88, $3  }
0x1: {  	(tag) =	ssettag $0x0;
	lr =	simm.s32 $0x1  }
0x2: {  	[smem:$0x3F8E] =	sst lr;
	_ =	strace $0xD0000000  }
0x3: {  	_ = 	snop  }
0x4: {  	_ = 	snop  }
0x5: {  	_ = 	snop  }
0x6: {  	_ = 	snop  }
0x7: {  	_ = 	snop  }
__scs_overlays_trampoline_lowered:
0x8: {  	[smem:$0x3F9D] =	sst s0  }
0x9: {  	[smem:$0x3F9E] =	sst s1  }
0xa: {  	[smem:$0x3F9F] =	sst s2  }
0xb: {  	[smem:$0x3FA0] =	sst s3  }
0xc: {  	[smem:$0x3FA1] =	sst s4  }
0xd: {  	[smem:$0x3FA2] =	sst s5  }
0xe: {  	[smem:$0x3FA3] =	sst s6  }
0xf: {  	[smem:$0x3FA4] =	sst s7  }
0x10: {  	[smem:$0x3FA5] =	sst s8  }
0x11: {  	[smem:$0x3FA6] =	sst s9;
	s0 =	simm.s32 @!p0 $0x0  }
0x12: {  	s1 =	sld [smem:$0x3F8C];
	s0 =	simm.s32 @p0 $0x1  }
0x13: {  	[smem:$0x3FA7] =	sst s0;
	s0 =	simm.s32 @!p1 $0x0  }
0x14: {  	s2 =	sld [smem:$0x3F8B];
	s0 =	simm.s32 @p1 $0x1  }
0x15: {  	[smem:$0x3FA8] =	sst s0;
	s0 =	simm.s32 @!p2 $0x0  }
0x16: {  	s3 =	sld [smem:$0x3FDB];
	s0 =	simm.s32 @p2 $0x1  }
0x17: {  	s4 =	simm.s32 $0x1BF5;
	[smem:$0x3FAA] =	sst s0  }
0x18: {  	s0 =	sld [smem:$0x3F8D];
	_ =	swait.ge [sflag:s4], $0x0  }
0x19: {  	s7 =	sld [smem:$0x3F8E]  }
0x1a: {  	s8 =	sadd.s32 $0xFFFFE003, lr  }
0x1b: {  	s9 =	sadd.s32 $0xFFFFFEF7, lr;
	s5 =	simm.s32 $0xFFFFFFFF;
	p2 =	slt.u32 s8, $0xFFFFF086  }
0x1c: {  	p1 =	slt.u32 s9, $0xF7A;
	s5 =	simm.s32 @!p2 $0x0  }
0x1d: {  	s5 =	simm.s32 @p1 $0x1;
	p0 =	seq.s32 s7, s2  }
0x1e: {  	s7 =	smul.u32 @!p0 $0xF7A, s2;
	p2 =	seq.s32 @!p0 s5, $0x0  }
0x1f: {  	s9 =	smul.u32 $0xF7A, s1;
	s8 =	simm.s32 @!p0 $0x1BF5;
	p2 =	por !p2, p0  }
0x20: {  	[sflag:s8] =	ssyncset.s32 @!p0 $0xFFFFF086;
	s6 =	sadd.s32 @!p0 s3, s7;
	s7 =	simm.s32 @!p0 $0x108  }
0x21: {  	s3 =	sadd.s32 s3, s9;
	s6 =	sadd.s32 @!p0 $0x88, s6;
	s7 =	simm.s32 @p2 $0x1082  }
0x22: {  	[simem:s7], [sflag:s8] =	dma.local @!p0 [hbm:s6], $0xF7A  }
0x23: {  	s9 =	sor.u32 $0xD0000000, s2;
	s6 =	simm.s32 $0x108;
	_ =	swait.ge @!p0 [sflag:s8], $0x0  }
0x24: {  	s3 =	sadd.s32 $0x88, s3;
	s6 =	simm.s32 @!p1 $0x1082;
	[sflag:s4] =	ssyncset.s32 $0xFFFFF086  }
0x25: {  	[simem:s6], [sflag:s4] =	dma.local [hbm:s3], $0xF7A  }
0x26: {  	[smem:$0x3F8E] =	sst s1;
	(tag) =	ssettag s2;
	_ =	strace s9  }
0x27: {  	s1 =	sld [smem:$0x3F9E]  }
0x28: {  	s2 =	sld [smem:$0x3F9F]  }
0x29: {  	s4 =	sld [smem:$0x3FA1]  }
0x2a: {  	p0 =	seq.s32 s5, $0x0;
	s5 =	sld [smem:$0x3FA2]  }
0x2b: {  	s6 =	sld [smem:$0x3FA3]  }
0x2c: {  	s7 =	sld [smem:$0x3FA4]  }
0x2d: {  	s3 =	simm.s32 $0x108;
	s8 =	sld [smem:$0x3FA5]  }
0x2e: {  	s3 =	simm.s32 @!p0 $0x1082;
	s9 =	sld [smem:$0x3FA6]  }
0x2f: {  	lr =	sadd.s32 s0, s3;
	s0 =	sld [smem:$0x3F9D]  }
0x30: {  	s3 =	sld [smem:$0x3FA0]  }
0x31: {  	[smem:$0x3FA9] =	sst s10  }
0x32: {  	s10 =	sld [smem:$0x3FA7];
	_ =	sdelay $0x3  }
0x33: {  	p0 =	seq.s32 s10, $0x1;
	s10 =	sld [smem:$0x3FA9];
	_ =	sdelay $0x3  }
0x34: {  	[smem:$0x3FA9] =	sst s10  }
0x35: {  	s10 =	sld [smem:$0x3FA8];
	_ =	sdelay $0x3  }
0x36: {  	p1 =	seq.s32 s10, $0x1;
	s10 =	sld [smem:$0x3FA9];
	_ =	sdelay $0x3  }
0x37: {  	[smem:$0x3FA9] =	sst s10  }
0x38: {  	s10 =	sld [smem:$0x3FAA]  }
0x39: {  	_ = 	snop;
	(pc) =	sbr.ind lr, $3  }
0x3a: {  	_ = 	snop  }
0x3b: {  	_ = 	snop  }
0x3c: {  	p2 =	seq.s32 s10, $0x1;
	s10 =	sld [smem:$0x3FA9]  }
0x3d: {  	_ =	shalt  }
0x3e: {  	_ =	shalt  }
0x3f: {  	_ =	shalt  }
0x40: {  	_ =	shalt  }
0x41: {  	_ =	shalt  }
0x42: {  	_ =	shalt  }
0x43: {  	_ =	shalt  }
0x44: {  	_ =	shalt  }
0x45: {  	_ =	shalt  }
0x46: {  	_ =	shalt  }
0x47: {  	_ =	shalt  }
0x48: {  	_ =	shalt  }
0x49: {  	_ =	shalt  }
0x4a: {  	_ =	shalt  }
0x4b: {  	_ =	shalt  }
0x4c: {  	_ =	shalt  }
0x4d: {  	_ =	shalt  }
0x4e: {  	_ =	shalt  }
0x4f: {  	_ =	shalt  }
0x50: {  	_ =	shalt  }
0x51: {  	_ =	shalt  }
0x52: {  	_ =	shalt  }
0x53: {  	_ =	shalt  }
0x54: {  	_ =	shalt  }
0x55: {  	_ =	shalt  }
0x56: {  	_ =	shalt  }
0x57: {  	_ =	shalt  }
0x58: {  	_ =	shalt  }
0x59: {  	_ =	shalt  }
0x5a: {  	_ =	shalt  }
0x5b: {  	_ =	shalt  }
0x5c: {  	_ =	shalt  }
0x5d: {  	_ =	shalt  }
0x5e: {  	_ =	shalt  }
0x5f: {  	_ =	shalt  }
0x60: {  	_ =	shalt  }
0x61: {  	_ =	shalt  }
0x62: {  	_ =	shalt  }
0x63: {  	_ =	shalt  }
0x64: {  	_ =	shalt  }
0x65: {  	_ =	shalt  }
0x66: {  	_ =	shalt  }
0x67: {  	_ =	shalt  }
0x68: {  	_ =	shalt  }
0x69: {  	_ =	shalt  }
0x6a: {  	_ =	shalt  }
0x6b: {  	_ =	shalt  }
0x6c: {  	_ =	shalt  }
0x6d: {  	_ =	shalt  }
0x6e: {  	_ =	shalt  }
0x6f: {  	_ =	shalt  }
0x70: {  	_ =	shalt  }
0x71: {  	_ =	shalt  }
0x72: {  	_ =	shalt  }
0x73: {  	_ =	shalt  }
0x74: {  	_ =	shalt  }
0x75: {  	_ =	shalt  }
0x76: {  	_ =	shalt  }
0x77: {  	_ =	shalt  }
0x78: {  	_ =	shalt  }
0x79: {  	_ =	shalt  }
0x7a: {  	_ =	shalt  }
0x7b: {  	_ =	shalt  }
0x7c: {  	_ =	shalt  }
0x7d: {  	_ =	shalt  }
0x7e: {  	_ =	shalt  }
0x7f: {  	_ =	shalt  }
0x80: {  	_ =	shalt  }
0x81: {  	_ =	shalt  }
0x82: {  	_ =	shalt  }
0x83: {  	_ =	shalt  }
0x84: {  	_ =	shalt  }
0x85: {  	_ =	shalt  }
0x86: {  	_ =	shalt  }
0x87: {  	_ =	shalt  }
.Lfunc_end0:
.L_simem_size_0:
called_computation_lowered:
.L_overlay_start_0:
0x88: {  	s2 =	sld [smem:$0x3FD9]  }
0x89: {  	s3 =	sld [smem:$0x3FFE];
	_ =	sdelay $0x1  }
0x8a: {  	s1 =	srdreg.scid  }
0x8b: {  	s0 =	sand.u32 $0x1, s1  }
0x8c: {  	s17 =	sshll.u32 s0, $0xA;
	s2 =	sadd.s32 s3, s2  }
0x8d: {  	s2 =	sadd.s32 s2, s17  }
0x8e: {  	[smem:$0x3FB5] =	sst s2  }
0x8f: {  	_ = 	snop  }
0x90: {  	s2 =	sld [smem:$0x3FD0];
	(tm) =	ssettm $0x1  }
0x91: {  	s18 =	sld [smem:$0x3FFB];
	_ =	sdelay $0x3  }
0x92: {  	_ =	strace s18  }
0x93: {  	s3 =	sld [smem:$0x3FFC];
	_ =	sdelay $0x3  }
0x94: {  	_ =	strace s3  }
0x95: {  	s3 =	sld [smem:$0x3FFD];
	_ =	sdelay $0x3  }
0x96: {  	_ =	strace s3  }
0x97: {  	_ =	strace $0x8FFFFFFF  }
0x98: {  	s19 =	sld [smem:$0x3FDB];
	_ =	sdelay $0x1  }
0x99: {  	s4 =	simm.s32 $_scs_section_size  }
0x9a: {  	s5 =	simm.s32 $_size__tile_overlayer_lowered;
	s6 =	simm.s32 $_tile_overlayer_lowered  }
0x9b: {  	s22 =	simm.s32 $0x1BFF;
	s21 =	sshll.u32 s6, $0x1;
	s3 =	sadd.s32 s4, s19  }
0x9c: {  	s7 =	simm.s32 $0x0;
	s20 =	sshll.u32 s5, $0x1;
	s5 =	sadd.s32 s21, s3  }
0x9d: {  	[timem:s7], [sflag:s22] =	dma.local [hbm:s5], s20  }
0x9e: {  	_ =	swait.ge [sflag:s22], s20  }
0x9f: {  	s4 =	ssub.s32 $0x0, s20;
	[sflag:s22] =	ssyncset.done $0x0  }
0xa0: {  	[sflag:s22] =	ssyncadd.s32 s4;
	_ =	sdelay $0x1  }
0xa1: {  	s23 =	simm.s32 $0x1B8B  }
0xa2: {  	_ =	swait.ge [sflag:s23], $0x1  }
0xa3: {  	[sflag:s23] =	ssyncset.done $0x0  }
0xa4: {  	s25 =	simm.s32 $0x1B8E;
	s24 =	sld [smem:$0x3FFE];
	[sflag:s23] =	ssyncadd.s32 $0xFFFFFFFF  }
0xa5: {  	s26 =	simm.s32 $execute0_lowered;
	[smem:$0x3FD2] =	sst s25  }
0xa6: {  	s5 =	sshll.u32 s26, $0x1;
	_ =	strace $0x80000046;
	[dreg:$0x1] =	wrdreg $0xFFFFFFFF  }
0xa7: {  	s28 =	simm.s32 $_size_execute0_lowered;
	s3 =	sadd.s32 s3, s5;
	[dreg:$0x0] =	wrdreg $0x0  }
0xa8: {  	s5 =	sshll.u32 s28, $0x1;
	[dreg:$0x2] =	wrdreg s3  }
0xa9: {  	[dreg:$0x3] =	wrdreg s5  }
0xaa: {  	[dreg:$0x4] =	wrdreg $0xC0  }
0xab: {  	_ =	task [dreg:s7], $0x5FFFF  }
0xac: {  	[dreg:$0x1] =	wrdreg $0xFFFFFFFF  }
0xad: {  	[dreg:$0x0] =	wrdreg $0x60  }
0xae: {  	[dreg:$0x2] =	wrdreg s24  }
0xaf: {  	[dreg:$0x3] =	wrdreg s2  }
0xb0: {  	[dreg:$0x4] =	wrdreg $0x9  }
0xb1: {  	_ =	task.clear_ibuf [dreg:s7], $0x5FFFF;
	_ =	strace $0x90000046  }
0xb2: {  	s29 =	simm.s32 $0x9;
	_ =	strace $0x80000048  }
0xb3: {  	_ =	swait.ge [sflag:s29], $0x1  }
0xb4: {  	[sflag:s29] =	ssyncadd.s32 $0xFFFFFFFF  }
0xb5: {  	_ =	strace $0x90000048  }
0xb6: {  	_ =	sfence  }
0xb7: {  	s30 =	sld [smem:$0x0];
	_ =	sdelay $0x2  }
0xb8: {  	s31 =	sshll.u32 s1, $0xD;
	s1 =	sshrl.u32 s1, $0x2  }
0xb9: {  	s3 =	sand.u32 $0x4000, s31;
	s1 =	sadd.s32 s1, s30  }
0xba: {  	s0 =	sor.u32 s3, s0;
	s1 =	sshll.u32 s1, $0x11  }
0xbb: {  	s0 =	sor.u32 s1, s0  }
0xbc: {  	s0 =	sadd.s32 $0x8F2B, s0  }
0xbd: {  	[sflag:s0] =	ssyncadd.remote.s32 $0x1  }
0xbe: {  	_ =	sfence.sel $0xFFFF  }
0xbf: {  	[dreg:$0x0] =	wrdreg $0xFFFFFFFF;
	(pc) =	sbr.abs _section_cstart, $3  }
0xc0: {  	[dreg:$0x1] =	wrdreg $0xFFFFFFFF  }
0xc1: {  	_ =	task.clear_ibuf [dreg:s7], $0x2FFFF;
	_ =	strace $0x9FFFFFFF  }
0xc2: {  	(tm) =	ssettm $0x7FFFFFFF  }
0xc3: {  	_ =	shalt  }
tec
execute0_lowered:
.L_overlay_start_1:
0x0: {  	(tag) =	ssettag $0x1  }
0x1: {  	s0 =	rddreg [dreg:$0x0]  }
0x2: {  	s1 =	rddreg [dreg:$0x1];
	s3 =	srdreg.scid  }
0x3: {  	s4 =	stileid.u32;
	s2 =	simm.s32 $0x0;
	s30 =	simm.s32 $0x5400  }
0x4: {  	s28 =	simm.s32 $0x5C00;
	s5 =	sand.u32 $0x1, s3;
	s13 =	sshll.u32 s4, $0x1  }
0x5: {  	s29 =	simm.s32 $0x6400;
	s31 =	simm.s32 $0x6C00;
	s4 =	sor.u32 s5, s13  }
0x6: {  	[smem:$0x7FF] =	sst s2;
	s8 =	sadd.s32 $0x61DA00, s0;
	s6 =	smul.u32 $0x190, s4  }
0x7: {  	_ =	strace $0x80000047;
	s5 =	ssub.s32 $0x2, s5;
	s9 =	smul.u32 $0x3200, s4  }
0x8: {  	s3 =	sshll.u32 s4, $0x7;
	s10 =	smul.u32 $0x1900, s4;
	s4 =	sadd.s32 $0x496000, s0  }
0x9: {  	s25 =	sshrl.u32 s5, $0x1;
	s7 =	sadd.s32 s3, s0;
	s3 =	sadd.s32 $0x2200, s0  }
0xa: {  	s5 =	ssub.s32 s5, s25;
	s25 =	simm.s32 $0x180;
	s7 =	sadd.s32 $0x61CA00, s7  }
0xb: {  	s14 =	sadd.s32 s8, s9;
	s15 =	sadd.s32 s1, s10;
	s16 =	sadd.s32 $0x50, s6  }
0xc: {  	s18 =	sadd.s32 $0xA0, s6;
	s24 =	sadd.s32 $0xF0, s6;
	[dreg:$0x19] =	wrdreg s25  }
0xd: {  	s6 =	sadd.s32 $0x140, s6;
	s5 =	smax.u32 s5, $0x1;
	[dreg:$0x3] =	wrdreg s7  }
0xe: {  	s9 =	simm.s32 $0x3;
	s25 =	simm.s32 $0x4400;
	[dreg:$0x4] =	wrdreg s14  }
0xf: {  	[dreg:$0x5] =	wrdreg s15;
	s17 =	sshll.u32 s16, $0x5;
	s14 =	simm.s32 $0x80  }
0x10: {  	s7 =	sshll.u32 s16, $0x4;
	s15 =	simm.s32 $0xAC00;
	[dreg:$0xe] =	wrdreg s14  }
0x11: {  	s20 =	sshll.u32 s18, $0x5;
	s16 =	simm.s32 $0xB400;
	[dreg:$0xf] =	wrdreg s15  }
0x12: {  	s22 =	sshll.u32 s18, $0x4;
	s18 =	simm.s32 $0xC400;
	[dreg:$0x10] =	wrdreg s16  }
0x13: {  	s26 =	sshll.u32 s24, $0x5;
	s0 =	sadd.s32 s8, s17;
	[dreg:$0x12] =	wrdreg s18  }
0x14: {  	s11 =	sshll.u32 s6, $0x5;
	s19 =	sadd.s32 s1, s7;
	[dreg:$0x6] =	wrdreg s0  }
0x15: {  	s6 =	sshll.u32 s6, $0x4;
	s21 =	sadd.s32 s8, s20;
	[dreg:$0x7] =	wrdreg s19  }
0x16: {  	s23 =	sadd.s32 s1, s22;
	s7 =	sshll.u32 s24, $0x4;
	[dreg:$0x8] =	wrdreg s21  }
0x17: {  	s12 =	sadd.s32 s8, s11;
	s13 =	sadd.s32 s1, s6;
	[dreg:$0x9] =	wrdreg s23  }
0x18: {  	s17 =	simm.s32 $0xBC00;
	s20 =	simm.s32 $0xD400;
	[dreg:$0xc] =	wrdreg s12  }
0x19: {  	s22 =	simm.s32 $0xE400;
	s24 =	simm.s32 $0x100;
	[dreg:$0xd] =	wrdreg s13  }
0x1a: {  	s11 =	simm.s32 $0x4;
	s18 =	simm.s32 $0x400;
	[dreg:$0x11] =	wrdreg s17  }
0x1b: {  	s15 =	simm.s32 $0xC00;
	s16 =	simm.s32 $0x1400;
	[dreg:$0x14] =	wrdreg s20  }
0x1c: {  	s0 =	sadd.s32 s8, s26;
	s10 =	sadd.s32 s1, s7;
	[dreg:$0x16] =	wrdreg s22  }
0x1d: {  	s19 =	simm.s32 $0xCC00;
	s21 =	simm.s32 $0xDC00;
	[dreg:$0x18] =	wrdreg s24  }
0x1e: {  	s23 =	simm.s32 $0xEC00;
	s26 =	simm.s32 $0x200;
	[dreg:$0xa] =	wrdreg s0  }
0x1f: {  	s1 =	simm.s32 $0x2;
	s8 =	simm.s32 $0x5;
	[dreg:$0xb] =	wrdreg s10  }
0x20: {  	s12 =	simm.s32 $0x7;
	s20 =	simm.s32 $0x1C00;
	[dreg:$0x13] =	wrdreg s19  }
0x21: {  	s22 =	simm.s32 $0x2C00;
	s24 =	simm.s32 $0x3C00;
	[dreg:$0x15] =	wrdreg s21  }
0x22: {  	v2 =	vlaneseq.u32;
	s17 =	simm.s32 $0xA400;
	s7 =	simm.s32 $0x14400;
	[dreg:$0x17] =	wrdreg s23  }
0x23: {  	vm0 =	vmmov $0xffff;
	v1 =	vshrl.u32 v2, $0x3;
	[dreg:$0x1a] =	wrdreg s26;
	s10 =	simm.s32 $0x6;
	s21 =	simm.s32 $0x2400  }
0x24: {  	v0 =	vand.u32 $0x7, v2;
	v2 =	vor.u32 $0x8, v2;
	v1 =	vmul.u32 $0x8, v1;
	s23 =	simm.s32 $0x3400;
	s26 =	simm.s32 $0x4C00;
	s19 =	simm.s32 $0xF400  }
.LBB2_1:
0x25: {  	s13 =	rddreg [dreg:$0x3];
	s0 =	simm.s32 $0x1  }
0x26: {  	[tilespmem:s2], [sflag:$0x1] =	stream.linear.gather [hbm4b:s13+s2], $0x400, $0x38;
	[tilespmem:$0x16C00] =	vst v63  }
0x27: {  	_ =	swait.ge [sflag:s0], $0x400  }
0x28: {  	[sflag:s0] =	ssyncset.done $0x0  }
0x29: {  	[sflag:s0] =	ssyncadd.s32 $0xFFFFFC00  }
0x2a: {  	v3 =	vld [tilespmem:$0x0];
	_ =	sdelay $0x4  }
0x2b: {  	v4 =	vshrl.u32 v3, $0x3  }
0x2c: {  	v4 =	vmul.u32 $0x18, v4  }
0x2d: {  	v3 =	vand.u32 $0x7, v3  }
0x2e: {  	v3 =	vor.u32 v3, v4  }
0x2f: {  	v4 =	vperm.xlane v3, v0;
	_ =	sdelay $0x1  }
0x30: {  	v3 =	vperm.xlane v3, v2;
	v4 =	vadd.s32 v1, v4;
	_ =	sdelay $0x1  }
0x31: {  	v3 =	vadd.s32 v1, v3;
	_ =	sdelay $0x2  }
0x32: {  	[tilespmem:s18], [sflag:$0x2] =	stream.indirect_vreg.gather [hbm4b:s3+s2], $0x80, v4, vm0, $0xb8;
	[tilespmem:$0x16C00] =	vst v63  }
0x33: {  	_ = 	snop  }
0x34: {  	[tilespmem:s15], [sflag:$0x2] =	stream.indirect_vreg.gather [hbm4b:s3+s2], $0x80, v3, vm0, $0xb8;
	[tilespmem:$0x16C00] =	vst v63  }
0x35: {  	v3 =	vld [tilespmem:$0x10];
	_ =	sdelay $0x4  }
0x36: {  	v40 =	vshrl.u32 v3, $0x3  }
0x37: {  	v4 =	vmul.u32 $0x18, v40  }
0x38: {  	v3 =	vand.u32 $0x7, v3  }
0x39: {  	v3 =	vor.u32 v3, v4  }
0x3a: {  	v4 =	vperm.xlane v3, v0;
	_ =	sdelay $0x1  }
0x3b: {  	v3 =	vperm.xlane v3, v2;
	v4 =	vadd.s32 v1, v4;
	_ =	sdelay $0x1  }
0x3c: {  	v3 =	vadd.s32 v1, v3;
	_ =	sdelay $0x2  }
0x3d: {  	[tilespmem:s16], [sflag:$0x2] =	stream.indirect_vreg.gather [hbm4b:s3+s2], $0x80, v4, vm0, $0xb8;
	[tilespmem:$0x16C00] =	vst v63  }
0x3e: {  	_ = 	snop  }
0x3f: {  	[tilespmem:s20], [sflag:$0x2] =	stream.indirect_vreg.gather [hbm4b:s3+s2], $0x80, v3, vm0, $0xb8;
	[tilespmem:$0x16C00] =	vst v63  }
0x40: {  	v3 =	vld [tilespmem:$0x20];
	_ =	sdelay $0x4  }
0x41: {  	v41 =	vshrl.u32 v3, $0x3  }
0x42: {  	v4 =	vmul.u32 $0x18, v41  }
0x43: {  	v3 =	vand.u32 $0x7, v3  }
0x44: {  	v3 =	vor.u32 v3, v4  }
0x45: {  	v4 =	vperm.xlane v3, v0;
	_ =	sdelay $0x1  }
0x46: {  	v3 =	vperm.xlane v3, v2;
	v4 =	vadd.s32 v1, v4;
	_ =	sdelay $0x1  }
0x47: {  	v3 =	vadd.s32 v1, v3;
	_ =	sdelay $0x2  }
0x48: {  	[tilespmem:s21], [sflag:$0x2] =	stream.indirect_vreg.gather [hbm4b:s3+s2], $0x80, v4, vm0, $0xb8;
	[tilespmem:$0x16C00] =	vst v63  }
0x49: {  	_ = 	snop  }
0x4a: {  	[tilespmem:s22], [sflag:$0x2] =	stream.indirect_vreg.gather [hbm4b:s3+s2], $0x80, v3, vm0, $0xb8;
	[tilespmem:$0x16C00] =	vst v63  }
0x4b: {  	v3 =	vld [tilespmem:$0x30];
	_ =	sdelay $0x4  }
0x4c: {  	v42 =	vshrl.u32 v3, $0x3  }
0x4d: {  	v4 =	vmul.u32 $0x18, v42  }
0x4e: {  	v3 =	vand.u32 $0x7, v3  }
0x4f: {  	v3 =	vor.u32 v3, v4  }
0x50: {  	v4 =	vperm.xlane v3, v0;
	_ =	sdelay $0x1  }
0x51: {  	v3 =	vperm.xlane v3, v2;
	v4 =	vadd.s32 v1, v4;
	_ =	sdelay $0x1  }
0x52: {  	v3 =	vadd.s32 v1, v3;
	_ =	sdelay $0x2  }
0x53: {  	[tilespmem:s23], [sflag:$0x2] =	stream.indirect_vreg.gather [hbm4b:s3+s2], $0x80, v4, vm0, $0xb8;
	[tilespmem:$0x16C00] =	vst v63  }
0x54: {  	_ = 	snop  }
0x55: {  	[tilespmem:s24], [sflag:$0x2] =	stream.indirect_vreg.gather [hbm4b:s3+s2], $0x80, v3, vm0, $0xb8;
	[tilespmem:$0x16C00] =	vst v63  }
0x56: {  	v3 =	vld [tilespmem:$0x40];
	_ =	sdelay $0x4  }
0x57: {  	v43 =	vshrl.u32 v3, $0x3  }
0x58: {  	v4 =	vmul.u32 $0x18, v43  }
0x59: {  	v3 =	vand.u32 $0x7, v3  }
0x5a: {  	v3 =	vor.u32 v3, v4  }
0x5b: {  	v4 =	vperm.xlane v3, v0;
	_ =	sdelay $0x1  }
0x5c: {  	v3 =	vperm.xlane v3, v2;
	v4 =	vadd.s32 v1, v4;
	_ =	sdelay $0x1  }
0x5d: {  	v3 =	vadd.s32 v1, v3;
	_ =	sdelay $0x2  }
0x5e: {  	[tilespmem:s25], [sflag:$0x2] =	stream.indirect_vreg.gather [hbm4b:s3+s2], $0x80, v4, vm0, $0xb8;
	[tilespmem:$0x16C00] =	vst v63  }
0x5f: {  	_ = 	snop  }
0x60: {  	[tilespmem:s26], [sflag:$0x2] =	stream.indirect_vreg.gather [hbm4b:s3+s2], $0x80, v3, vm0, $0xb8;
	[tilespmem:$0x16C00] =	vst v63  }
0x61: {  	s0 =	simm.s32 $0x50  }
0x62: {  	[tilespmem:s19], [sflag:$0x2] =	stream.indirect.gather [hbm4b:s4+s0], $0x80, s2, s0, $0xb8;
	[tilespmem:$0x16C00] =	vst v63  }
0x63: {  	v3 =	vld [tilespmem:$0x80];
	_ =	sdelay $0x4  }
0x64: {  	v44 =	vshrl.u32 v3, $0x3  }
0x65: {  	v4 =	vmul.u32 $0x18, v44  }
0x66: {  	v3 =	vand.u32 $0x7, v3  }
0x67: {  	v3 =	vor.u32 v3, v4  }
0x68: {  	v4 =	vperm.xlane v3, v0;
	_ =	sdelay $0x1  }
0x69: {  	v3 =	vperm.xlane v3, v2;
	v4 =	vadd.s32 v1, v4;
	_ =	sdelay $0x1  }
0x6a: {  	v3 =	vadd.s32 v1, v3;
	_ =	sdelay $0x2  }
0x6b: {  	[tilespmem:s30], [sflag:$0x3] =	stream.indirect_vreg.gather [hbm4b:s3+s2], $0x80, v4, vm0, $0xb8;
	[tilespmem:$0x16C00] =	vst v63  }
0x6c: {  	_ = 	snop  }
0x6d: {  	[tilespmem:s28], [sflag:$0x3] =	stream.indirect_vreg.gather [hbm4b:s3+s2], $0x80, v3, vm0, $0xb8;
	[tilespmem:$0x16C00] =	vst v63  }
0x6e: {  	v3 =	vld [tilespmem:$0x90];
	_ =	sdelay $0x4  }
0x6f: {  	v45 =	vshrl.u32 v3, $0x3  }
0x70: {  	v4 =	vmul.u32 $0x18, v45  }
0x71: {  	v3 =	vand.u32 $0x7, v3  }
0x72: {  	v3 =	vor.u32 v3, v4  }
0x73: {  	v4 =	vperm.xlane v3, v0;
	_ =	sdelay $0x1  }
0x74: {  	v3 =	vperm.xlane v3, v2;
	v4 =	vadd.s32 v1, v4;
	_ =	sdelay $0x1  }
0x75: {  	v3 =	vadd.s32 v1, v3;
	_ =	sdelay $0x2  }
0x76: {  	[tilespmem:s29], [sflag:$0x3] =	stream.indirect_vreg.gather [hbm4b:s3+s2], $0x80, v4, vm0, $0xb8;
	[tilespmem:$0x16C00] =	vst v63  }
0x77: {  	_ = 	snop  }
0x78: {  	[tilespmem:s31], [sflag:$0x3] =	stream.indirect_vreg.gather [hbm4b:s3+s2], $0x80, v3, vm0, $0xb8;
	[tilespmem:$0x16C00] =	vst v63  }
0x79: {  	v3 =	vld [tilespmem:$0xA0];
	_ =	sdelay $0x4  }
0x7a: {  	v46 =	vshrl.u32 v3, $0x3  }
0x7b: {  	v4 =	vmul.u32 $0x18, v46  }
0x7c: {  	v3 =	vand.u32 $0x7, v3  }
0x7d: {  	v3 =	vor.u32 v3, v4  }
0x7e: {  	v4 =	vperm.xlane v3, v0;
	_ =	sdelay $0x1  }
0x7f: {  	v3 =	vperm.xlane v3, v2;
	v4 =	vadd.s32 v1, v4;
	_ =	sdelay $0x1  }
0x80: {  	v3 =	vadd.s32 v1, v3;
	_ =	sdelay $0x1  }
0x81: {  	s6 =	simm.s32 $0x7400  }
0x82: {  	[tilespmem:s6], [sflag:$0x3] =	stream.indirect_vreg.gather [hbm4b:s3+s2], $0x80, v4, vm0, $0xb8;
	[tilespmem:$0x16C00] =	vst v63  }
0x83: {  	s14 =	simm.s32 $0x7C00  }
0x84: {  	[tilespmem:s14], [sflag:$0x3] =	stream.indirect_vreg.gather [hbm4b:s3+s2], $0x80, v3, vm0, $0xb8;
	[tilespmem:$0x16C00] =	vst v63  }
0x85: {  	v3 =	vld [tilespmem:$0xB0];
	_ =	sdelay $0x4  }
0x86: {  	v47 =	vshrl.u32 v3, $0x3  }
0x87: {  	v4 =	vmul.u32 $0x18, v47  }
0x88: {  	v3 =	vand.u32 $0x7, v3  }
0x89: {  	v3 =	vor.u32 v3, v4  }
0x8a: {  	v4 =	vperm.xlane v3, v0;
	_ =	sdelay $0x1  }
0x8b: {  	v3 =	vperm.xlane v3, v2;
	v4 =	vadd.s32 v1, v4;
	_ =	sdelay $0x1  }
0x8c: {  	v3 =	vadd.s32 v1, v3;
	_ =	sdelay $0x1  }
0x8d: {  	s13 =	simm.s32 $0x8400  }
0x8e: {  	[tilespmem:s13], [sflag:$0x3] =	stream.indirect_vreg.gather [hbm4b:s3+s2], $0x80, v4, vm0, $0xb8;
	[tilespmem:$0x16C00] =	vst v63  }
0x8f: {  	s14 =	simm.s32 $0x8C00  }
0x90: {  	[tilespmem:s14], [sflag:$0x3] =	stream.indirect_vreg.gather [hbm4b:s3+s2], $0x80, v3, vm0, $0xb8;
	[tilespmem:$0x16C00] =	vst v63  }
0x91: {  	v3 =	vld [tilespmem:$0xC0];
	_ =	sdelay $0x4  }
0x92: {  	v48 =	vshrl.u32 v3, $0x3  }
0x93: {  	v4 =	vmul.u32 $0x18, v48  }
0x94: {  	v3 =	vand.u32 $0x7, v3  }
0x95: {  	v3 =	vor.u32 v3, v4  }
0x96: {  	v4 =	vperm.xlane v3, v0;
	_ =	sdelay $0x1  }
0x97: {  	v3 =	vperm.xlane v3, v2;
	v4 =	vadd.s32 v1, v4;
	_ =	sdelay $0x1  }
0x98: {  	v3 =	vadd.s32 v1, v3;
	_ =	sdelay $0x1  }
0x99: {  	s13 =	simm.s32 $0x9400  }
0x9a: {  	[tilespmem:s13], [sflag:$0x3] =	stream.indirect_vreg.gather [hbm4b:s3+s2], $0x80, v4, vm0, $0xb8;
	[tilespmem:$0x16C00] =	vst v63  }
0x9b: {  	s14 =	simm.s32 $0x9C00  }
0x9c: {  	[tilespmem:s14], [sflag:$0x3] =	stream.indirect_vreg.gather [hbm4b:s3+s2], $0x80, v3, vm0, $0xb8;
	[tilespmem:$0x16C00] =	vst v63  }
0x9d: {  	s6 =	simm.s32 $0x11C00;
	s13 =	rddreg [dreg:$0xe]  }
0x9e: {  	[tilespmem:s6], [sflag:$0x3] =	stream.indirect.gather [hbm4b:s4+s0], $0x80, s13, s0, $0xb8;
	[tilespmem:$0x16C00] =	vst v63  }
0x9f: {  	v3 =	vld [tilespmem:$0x100];
	_ =	sdelay $0x4  }
0xa0: {  	v49 =	vshrl.u32 v3, $0x3  }
0xa1: {  	v4 =	vmul.u32 $0x18, v49  }
0xa2: {  	v3 =	vand.u32 $0x7, v3  }
0xa3: {  	v3 =	vor.u32 v3, v4  }
0xa4: {  	v4 =	vperm.xlane v3, v0;
	_ =	sdelay $0x1  }
0xa5: {  	v3 =	vperm.xlane v3, v2;
	v4 =	vadd.s32 v1, v4;
	_ =	sdelay $0x1  }
0xa6: {  	v3 =	vadd.s32 v1, v3;
	_ =	sdelay $0x2  }
0xa7: {  	[tilespmem:s17], [sflag:$0x4] =	stream.indirect_vreg.gather [hbm4b:s3+s2], $0x80, v4, vm0, $0xb8;
	[tilespmem:$0x16C00] =	vst v63  }
0xa8: {  	s14 =	rddreg [dreg:$0xf]  }
0xa9: {  	[tilespmem:s14], [sflag:$0x4] =	stream.indirect_vreg.gather [hbm4b:s3+s2], $0x80, v3, vm0, $0xb8;
	[tilespmem:$0x16C00] =	vst v63  }
0xaa: {  	v3 =	vld [tilespmem:$0x110];
	_ =	sdelay $0x4  }
0xab: {  	v50 =	vshrl.u32 v3, $0x3  }
0xac: {  	v4 =	vmul.u32 $0x18, v50  }
0xad: {  	v3 =	vand.u32 $0x7, v3  }
0xae: {  	v3 =	vor.u32 v3, v4  }
0xaf: {  	v4 =	vperm.xlane v3, v0;
	_ =	sdelay $0x1  }
0xb0: {  	v3 =	vperm.xlane v3, v2;
	v4 =	vadd.s32 v1, v4;
	_ =	sdelay $0x1  }
0xb1: {  	v3 =	vadd.s32 v1, v3;
	_ =	sdelay $0x1  }
0xb2: {  	s13 =	rddreg [dreg:$0x10]  }
0xb3: {  	[tilespmem:s13], [sflag:$0x4] =	stream.indirect_vreg.gather [hbm4b:s3+s2], $0x80, v4, vm0, $0xb8;
	[tilespmem:$0x16C00] =	vst v63  }
0xb4: {  	s14 =	rddreg [dreg:$0x11]  }
0xb5: {  	[tilespmem:s14], [sflag:$0x4] =	stream.indirect_vreg.gather [hbm4b:s3+s2], $0x80, v3, vm0, $0xb8;
	[tilespmem:$0x16C00] =	vst v63  }
0xb6: {  	v3 =	vld [tilespmem:$0x120];
	_ =	sdelay $0x4  }
0xb7: {  	v51 =	vshrl.u32 v3, $0x3  }
0xb8: {  	v4 =	vmul.u32 $0x18, v51  }
0xb9: {  	v3 =	vand.u32 $0x7, v3  }
0xba: {  	v3 =	vor.u32 v3, v4  }
0xbb: {  	v4 =	vperm.xlane v3, v0;
	_ =	sdelay $0x1  }
0xbc: {  	v3 =	vperm.xlane v3, v2;
	v4 =	vadd.s32 v1, v4;
	_ =	sdelay $0x1  }
0xbd: {  	v3 =	vadd.s32 v1, v3;
	_ =	sdelay $0x1  }
0xbe: {  	s13 =	rddreg [dreg:$0x12]  }
0xbf: {  	[tilespmem:s13], [sflag:$0x4] =	stream.indirect_vreg.gather [hbm4b:s3+s2], $0x80, v4, vm0, $0xb8;
	[tilespmem:$0x16C00] =	vst v63  }
0xc0: {  	s14 =	rddreg [dreg:$0x13]  }
0xc1: {  	[tilespmem:s14], [sflag:$0x4] =	stream.indirect_vreg.gather [hbm4b:s3+s2], $0x80, v3, vm0, $0xb8;
	[tilespmem:$0x16C00] =	vst v63  }
0xc2: {  	v3 =	vld [tilespmem:$0x130];
	_ =	sdelay $0x4  }
0xc3: {  	v52 =	vshrl.u32 v3, $0x3  }
0xc4: {  	v4 =	vmul.u32 $0x18, v52  }
0xc5: {  	v3 =	vand.u32 $0x7, v3  }
0xc6: {  	v3 =	vor.u32 v3, v4  }
0xc7: {  	v4 =	vperm.xlane v3, v0;
	_ =	sdelay $0x1  }
0xc8: {  	v3 =	vperm.xlane v3, v2;
	v4 =	vadd.s32 v1, v4;
	_ =	sdelay $0x1  }
0xc9: {  	v3 =	vadd.s32 v1, v3;
	_ =	sdelay $0x1  }
0xca: {  	s13 =	rddreg [dreg:$0x14]  }
0xcb: {  	[tilespmem:s13], [sflag:$0x4] =	stream.indirect_vreg.gather [hbm4b:s3+s2], $0x80, v4, vm0, $0xb8;
	[tilespmem:$0x16C00] =	vst v63  }
0xcc: {  	s14 =	rddreg [dreg:$0x15]  }
0xcd: {  	[tilespmem:s14], [sflag:$0x4] =	stream.indirect_vreg.gather [hbm4b:s3+s2], $0x80, v3, vm0, $0xb8;
	[tilespmem:$0x16C00] =	vst v63  }
0xce: {  	v3 =	vld [tilespmem:$0x140];
	_ =	sdelay $0x4  }
0xcf: {  	v53 =	vshrl.u32 v3, $0x3  }
0xd0: {  	v4 =	vmul.u32 $0x18, v53  }
0xd1: {  	v3 =	vand.u32 $0x7, v3  }
0xd2: {  	v3 =	vor.u32 v3, v4  }
0xd3: {  	v4 =	vperm.xlane v3, v0;
	_ =	sdelay $0x1  }
0xd4: {  	v3 =	vperm.xlane v3, v2;
	v4 =	vadd.s32 v1, v4;
	_ =	sdelay $0x1  }
0xd5: {  	v3 =	vadd.s32 v1, v3;
	_ =	sdelay $0x1  }
0xd6: {  	s13 =	rddreg [dreg:$0x16]  }
0xd7: {  	[tilespmem:s13], [sflag:$0x4] =	stream.indirect_vreg.gather [hbm4b:s3+s2], $0x80, v4, vm0, $0xb8;
	[tilespmem:$0x16C00] =	vst v63  }
0xd8: {  	s14 =	rddreg [dreg:$0x17]  }
0xd9: {  	[tilespmem:s14], [sflag:$0x4] =	stream.indirect_vreg.gather [hbm4b:s3+s2], $0x80, v3, vm0, $0xb8;
	[tilespmem:$0x16C00] =	vst v63  }
0xda: {  	s13 =	rddreg [dreg:$0x18]  }
0xdb: {  	[tilespmem:s7], [sflag:$0x4] =	stream.indirect.gather [hbm4b:s4+s0], $0x80, s13, s0, $0xb8;
	[tilespmem:$0x16C00] =	vst v63  }
0xdc: {  	_ =	swait.ge [sflag:s1], $0x5000  }
0xdd: {  	[sflag:s1] =	ssyncset.done $0x0  }
0xde: {  	[sflag:s1] =	ssyncadd.s32 $0xFFFFB000  }
0xdf: {  	_ =	swait.ge [sflag:s1], $0x2800  }
0xe0: {  	[sflag:s1] =	ssyncset.done $0x0  }
0xe1: {  	s13 =	rddreg [dreg:$0x4];
	[sflag:s1] =	ssyncadd.s32 $0xFFFFD800  }
0xe2: {  	[hbm4b:s13+s2] =	stream.linear.scatter [tilespmem:s18], [sflag:$0x5], $0x5000, $0x38;
	[tilespmem:$0x16C00] =	vst v63  }
0xe3: {  	s14 =	rddreg [dreg:$0x5]  }
0xe4: {  	[hbm4b:s14+s2] =	stream.linear.scatter [tilespmem:s19], [sflag:$0x5], $0x2800, $0x38;
	[tilespmem:$0x16C00] =	vst v63  }
0xe5: {  	_ =	swait.ge [sflag:s8], $0x5000  }
0xe6: {  	[sflag:s8] =	ssyncset.done $0x0  }
0xe7: {  	[sflag:s8] =	ssyncadd.s32 $0xFFFFB000  }
0xe8: {  	_ =	swait.ge [sflag:s8], $0x2800  }
0xe9: {  	[sflag:s8] =	ssyncset.done $0x0  }
0xea: {  	[sflag:s8] =	ssyncadd.s32 $0xFFFFD800  }
0xeb: {  	v3 =	vld [tilespmem:$0x180];
	_ =	sdelay $0x4  }
0xec: {  	v54 =	vshrl.u32 v3, $0x3  }
0xed: {  	v4 =	vmul.u32 $0x18, v54  }
0xee: {  	v3 =	vand.u32 $0x7, v3  }
0xef: {  	v3 =	vor.u32 v3, v4  }
0xf0: {  	v4 =	vperm.xlane v3, v0;
	_ =	sdelay $0x1  }
0xf1: {  	v3 =	vperm.xlane v3, v2;
	v4 =	vadd.s32 v1, v4;
	_ =	sdelay $0x1  }
0xf2: {  	v3 =	vadd.s32 v1, v3;
	_ =	sdelay $0x2  }
0xf3: {  	[tilespmem:s18], [sflag:$0x2] =	stream.indirect_vreg.gather [hbm4b:s3+s2], $0x80, v4, vm0, $0xb8;
	[tilespmem:$0x16C00] =	vst v63  }
0xf4: {  	_ = 	snop  }
0xf5: {  	[tilespmem:s15], [sflag:$0x2] =	stream.indirect_vreg.gather [hbm4b:s3+s2], $0x80, v3, vm0, $0xb8;
	[tilespmem:$0x16C00] =	vst v63  }
0xf6: {  	v3 =	vld [tilespmem:$0x190];
	_ =	sdelay $0x4  }
0xf7: {  	v55 =	vshrl.u32 v3, $0x3  }
0xf8: {  	v4 =	vmul.u32 $0x18, v55  }
0xf9: {  	v3 =	vand.u32 $0x7, v3  }
0xfa: {  	v3 =	vor.u32 v3, v4  }
0xfb: {  	v4 =	vperm.xlane v3, v0;
	_ =	sdelay $0x1  }
0xfc: {  	v3 =	vperm.xlane v3, v2;
	v4 =	vadd.s32 v1, v4;
	_ =	sdelay $0x1  }
0xfd: {  	v3 =	vadd.s32 v1, v3;
	_ =	sdelay $0x2  }
0xfe: {  	[tilespmem:s16], [sflag:$0x2] =	stream.indirect_vreg.gather [hbm4b:s3+s2], $0x80, v4, vm0, $0xb8;
	[tilespmem:$0x16C00] =	vst v63  }
0xff: {  	_ = 	snop  }
0x100: {  	[tilespmem:s20], [sflag:$0x2] =	stream.indirect_vreg.gather [hbm4b:s3+s2], $0x80, v3, vm0, $0xb8;
	[tilespmem:$0x16C00] =	vst v63  }
0x101: {  	v3 =	vld [tilespmem:$0x1A0];
	_ =	sdelay $0x4  }
0x102: {  	v56 =	vshrl.u32 v3, $0x3  }
0x103: {  	v4 =	vmul.u32 $0x18, v56  }
0x104: {  	v3 =	vand.u32 $0x7, v3  }
0x105: {  	v3 =	vor.u32 v3, v4  }
0x106: {  	v4 =	vperm.xlane v3, v0;
	_ =	sdelay $0x1  }
0x107: {  	v3 =	vperm.xlane v3, v2;
	v4 =	vadd.s32 v1, v4;
	_ =	sdelay $0x1  }
0x108: {  	v3 =	vadd.s32 v1, v3;
	_ =	sdelay $0x2  }
0x109: {  	[tilespmem:s21], [sflag:$0x2] =	stream.indirect_vreg.gather [hbm4b:s3+s2], $0x80, v4, vm0, $0xb8;
	[tilespmem:$0x16C00] =	vst v63  }
0x10a: {  	_ = 	snop  }
0x10b: {  	[tilespmem:s22], [sflag:$0x2] =	stream.indirect_vreg.gather [hbm4b:s3+s2], $0x80, v3, vm0, $0xb8;
	[tilespmem:$0x16C00] =	vst v63  }
0x10c: {  	v3 =	vld [tilespmem:$0x1B0];
	_ =	sdelay $0x4  }
0x10d: {  	v57 =	vshrl.u32 v3, $0x3  }
0x10e: {  	v4 =	vmul.u32 $0x18, v57  }
0x10f: {  	v3 =	vand.u32 $0x7, v3  }
0x110: {  	v3 =	vor.u32 v3, v4  }
0x111: {  	v4 =	vperm.xlane v3, v0;
	_ =	sdelay $0x1  }
0x112: {  	v3 =	vperm.xlane v3, v2;
	v4 =	vadd.s32 v1, v4;
	_ =	sdelay $0x1  }
0x113: {  	v3 =	vadd.s32 v1, v3;
	_ =	sdelay $0x2  }
0x114: {  	[tilespmem:s23], [sflag:$0x2] =	stream.indirect_vreg.gather [hbm4b:s3+s2], $0x80, v4, vm0, $0xb8;
	[tilespmem:$0x16C00] =	vst v63  }
0x115: {  	_ = 	snop  }
0x116: {  	[tilespmem:s24], [sflag:$0x2] =	stream.indirect_vreg.gather [hbm4b:s3+s2], $0x80, v3, vm0, $0xb8;
	[tilespmem:$0x16C00] =	vst v63  }
0x117: {  	v3 =	vld [tilespmem:$0x1C0];
	_ =	sdelay $0x4  }
0x118: {  	v58 =	vshrl.u32 v3, $0x3  }
0x119: {  	v4 =	vmul.u32 $0x18, v58  }
0x11a: {  	v3 =	vand.u32 $0x7, v3  }
0x11b: {  	v3 =	vor.u32 v3, v4  }
0x11c: {  	v4 =	vperm.xlane v3, v0;
	_ =	sdelay $0x1  }
0x11d: {  	v3 =	vperm.xlane v3, v2;
	v4 =	vadd.s32 v1, v4;
	_ =	sdelay $0x1  }
0x11e: {  	v3 =	vadd.s32 v1, v3;
	_ =	sdelay $0x2  }
0x11f: {  	[tilespmem:s25], [sflag:$0x2] =	stream.indirect_vreg.gather [hbm4b:s3+s2], $0x80, v4, vm0, $0xb8;
	[tilespmem:$0x16C00] =	vst v63  }
0x120: {  	_ = 	snop  }
0x121: {  	[tilespmem:s26], [sflag:$0x2] =	stream.indirect_vreg.gather [hbm4b:s3+s2], $0x80, v3, vm0, $0xb8;
	[tilespmem:$0x16C00] =	vst v63  }
0x122: {  	s14 =	rddreg [dreg:$0x19]  }
0x123: {  	[tilespmem:s19], [sflag:$0x2] =	stream.indirect.gather [hbm4b:s4+s0], $0x80, s14, s0, $0xb8;
	[tilespmem:$0x16C00] =	vst v63  }
0x124: {  	_ =	swait.ge [sflag:s9], $0x5000  }
0x125: {  	[sflag:s9] =	ssyncset.done $0x0  }
0x126: {  	[sflag:s9] =	ssyncadd.s32 $0xFFFFB000  }
0x127: {  	_ =	swait.ge [sflag:s9], $0x2800  }
0x128: {  	[sflag:s9] =	ssyncset.done $0x0  }
0x129: {  	s13 =	rddreg [dreg:$0x6];
	[sflag:s9] =	ssyncadd.s32 $0xFFFFD800  }
0x12a: {  	[hbm4b:s13+s2] =	stream.linear.scatter [tilespmem:s30], [sflag:$0x6], $0x5000, $0x38;
	[tilespmem:$0x16C00] =	vst v63  }
0x12b: {  	s14 =	rddreg [dreg:$0x7]  }
0x12c: {  	[hbm4b:s14+s2] =	stream.linear.scatter [tilespmem:s6], [sflag:$0x6], $0x2800, $0x38;
	[tilespmem:$0x16C00] =	vst v63  }
0x12d: {  	_ =	swait.ge [sflag:s10], $0x5000  }
0x12e: {  	[sflag:s10] =	ssyncset.done $0x0  }
0x12f: {  	[sflag:s10] =	ssyncadd.s32 $0xFFFFB000  }
0x130: {  	_ =	swait.ge [sflag:s10], $0x2800  }
0x131: {  	[sflag:s10] =	ssyncset.done $0x0  }
0x132: {  	[sflag:s10] =	ssyncadd.s32 $0xFFFFD800  }
0x133: {  	v3 =	vld [tilespmem:$0x200];
	_ =	sdelay $0x4  }
0x134: {  	v59 =	vshrl.u32 v3, $0x3  }
0x135: {  	v4 =	vmul.u32 $0x18, v59  }
0x136: {  	v3 =	vand.u32 $0x7, v3  }
0x137: {  	v3 =	vor.u32 v3, v4  }
0x138: {  	v4 =	vperm.xlane v3, v0;
	_ =	sdelay $0x1  }
0x139: {  	v3 =	vperm.xlane v3, v2;
	v4 =	vadd.s32 v1, v4;
	_ =	sdelay $0x1  }
0x13a: {  	v3 =	vadd.s32 v1, v3;
	_ =	sdelay $0x2  }
0x13b: {  	[tilespmem:s30], [sflag:$0x3] =	stream.indirect_vreg.gather [hbm4b:s3+s2], $0x80, v4, vm0, $0xb8;
	[tilespmem:$0x16C00] =	vst v63  }
0x13c: {  	_ = 	snop  }
0x13d: {  	[tilespmem:s28], [sflag:$0x3] =	stream.indirect_vreg.gather [hbm4b:s3+s2], $0x80, v3, vm0, $0xb8;
	[tilespmem:$0x16C00] =	vst v63  }
0x13e: {  	v3 =	vld [tilespmem:$0x210];
	_ =	sdelay $0x4  }
0x13f: {  	v60 =	vshrl.u32 v3, $0x3  }
0x140: {  	v4 =	vmul.u32 $0x18, v60  }
0x141: {  	v3 =	vand.u32 $0x7, v3  }
0x142: {  	v3 =	vor.u32 v3, v4  }
0x143: {  	v4 =	vperm.xlane v3, v0;
	_ =	sdelay $0x1  }
0x144: {  	v3 =	vperm.xlane v3, v2;
	v4 =	vadd.s32 v1, v4;
	_ =	sdelay $0x1  }
0x145: {  	v3 =	vadd.s32 v1, v3;
	_ =	sdelay $0x2  }
0x146: {  	[tilespmem:s29], [sflag:$0x3] =	stream.indirect_vreg.gather [hbm4b:s3+s2], $0x80, v4, vm0, $0xb8;
	[tilespmem:$0x16C00] =	vst v63  }
0x147: {  	_ = 	snop  }
0x148: {  	[tilespmem:s31], [sflag:$0x3] =	stream.indirect_vreg.gather [hbm4b:s3+s2], $0x80, v3, vm0, $0xb8;
	[tilespmem:$0x16C00] =	vst v63  }
0x149: {  	v3 =	vld [tilespmem:$0x220];
	_ =	sdelay $0x4  }
0x14a: {  	v61 =	vshrl.u32 v3, $0x3  }
0x14b: {  	v4 =	vmul.u32 $0x18, v61  }
0x14c: {  	v3 =	vand.u32 $0x7, v3  }
0x14d: {  	v3 =	vor.u32 v3, v4  }
0x14e: {  	v4 =	vperm.xlane v3, v0;
	_ =	sdelay $0x1  }
0x14f: {  	v3 =	vperm.xlane v3, v2;
	v4 =	vadd.s32 v1, v4;
	_ =	sdelay $0x1  }
0x150: {  	v3 =	vadd.s32 v1, v3;
	_ =	sdelay $0x1  }
0x151: {  	s14 =	simm.s32 $0x7400  }
0x152: {  	[tilespmem:s14], [sflag:$0x3] =	stream.indirect_vreg.gather [hbm4b:s3+s2], $0x80, v4, vm0, $0xb8;
	[tilespmem:$0x16C00] =	vst v63  }
0x153: {  	s14 =	simm.s32 $0x7C00  }
0x154: {  	[tilespmem:s14], [sflag:$0x3] =	stream.indirect_vreg.gather [hbm4b:s3+s2], $0x80, v3, vm0, $0xb8;
	[tilespmem:$0x16C00] =	vst v63  }
0x155: {  	v3 =	vld [tilespmem:$0x230];
	_ =	sdelay $0x4  }
0x156: {  	v62 =	vshrl.u32 v3, $0x3  }
0x157: {  	v4 =	vmul.u32 $0x18, v62  }
0x158: {  	v3 =	vand.u32 $0x7, v3  }
0x159: {  	v3 =	vor.u32 v3, v4  }
0x15a: {  	v4 =	vperm.xlane v3, v0;
	_ =	sdelay $0x1  }
0x15b: {  	v3 =	vperm.xlane v3, v2;
	v4 =	vadd.s32 v1, v4;
	_ =	sdelay $0x1  }
0x15c: {  	v3 =	vadd.s32 v1, v3;
	_ =	sdelay $0x1  }
0x15d: {  	s14 =	simm.s32 $0x8400  }
0x15e: {  	[tilespmem:s14], [sflag:$0x3] =	stream.indirect_vreg.gather [hbm4b:s3+s2], $0x80, v4, vm0, $0xb8;
	[tilespmem:$0x16C00] =	vst v63  }
0x15f: {  	s14 =	simm.s32 $0x8C00  }
0x160: {  	[tilespmem:s14], [sflag:$0x3] =	stream.indirect_vreg.gather [hbm4b:s3+s2], $0x80, v3, vm0, $0xb8;
	[tilespmem:$0x16C00] =	vst v63  }
0x161: {  	v3 =	vld [tilespmem:$0x240];
	_ =	sdelay $0x4  }
0x162: {  	v63 =	vshrl.u32 v3, $0x3  }
0x163: {  	v4 =	vmul.u32 $0x18, v63  }
0x164: {  	v3 =	vand.u32 $0x7, v3  }
0x165: {  	v3 =	vor.u32 v3, v4  }
0x166: {  	v4 =	vperm.xlane v3, v0;
	_ =	sdelay $0x1  }
0x167: {  	v3 =	vperm.xlane v3, v2;
	v4 =	vadd.s32 v1, v4;
	_ =	sdelay $0x1  }
0x168: {  	v3 =	vadd.s32 v1, v3;
	_ =	sdelay $0x1  }
0x169: {  	s14 =	simm.s32 $0x9400  }
0x16a: {  	[tilespmem:s14], [sflag:$0x3] =	stream.indirect_vreg.gather [hbm4b:s3+s2], $0x80, v4, vm0, $0xb8;
	[tilespmem:$0x16C00] =	vst v63  }
0x16b: {  	s14 =	simm.s32 $0x9C00  }
0x16c: {  	[tilespmem:s14], [sflag:$0x3] =	stream.indirect_vreg.gather [hbm4b:s3+s2], $0x80, v3, vm0, $0xb8;
	[tilespmem:$0x16C00] =	vst v63  }
0x16d: {  	s13 =	rddreg [dreg:$0x1a]  }
0x16e: {  	[tilespmem:s6], [sflag:$0x3] =	stream.indirect.gather [hbm4b:s4+s0], $0x80, s13, s0, $0xb8;
	[tilespmem:$0x16C00] =	vst v63  }
0x16f: {  	_ =	swait.ge [sflag:s11], $0x5000  }
0x170: {  	[sflag:s11] =	ssyncset.done $0x0  }
0x171: {  	[sflag:s11] =	ssyncadd.s32 $0xFFFFB000  }
0x172: {  	_ =	swait.ge [sflag:s11], $0x2800  }
0x173: {  	[sflag:s11] =	ssyncset.done $0x0  }
0x174: {  	s14 =	rddreg [dreg:$0x8];
	[sflag:s11] =	ssyncadd.s32 $0xFFFFD800  }
0x175: {  	[hbm4b:s14+s2] =	stream.linear.scatter [tilespmem:s17], [sflag:$0x7], $0x5000, $0x38;
	[tilespmem:$0x16C00] =	vst v63  }
0x176: {  	s0 =	rddreg [dreg:$0x9]  }
0x177: {  	[hbm4b:s0+s2] =	stream.linear.scatter [tilespmem:s7], [sflag:$0x7], $0x2800, $0x38;
	[tilespmem:$0x16C00] =	vst v63  }
0x178: {  	_ =	swait.ge [sflag:s1], $0x5000  }
0x179: {  	[sflag:s1] =	ssyncset.done $0x0  }
0x17a: {  	[sflag:s1] =	ssyncadd.s32 $0xFFFFB000  }
0x17b: {  	_ =	swait.ge [sflag:s1], $0x2800  }
0x17c: {  	[sflag:s1] =	ssyncset.done $0x0  }
0x17d: {  	s14 =	rddreg [dreg:$0xa];
	[sflag:s1] =	ssyncadd.s32 $0xFFFFD800  }
0x17e: {  	[hbm4b:s14+s2] =	stream.linear.scatter [tilespmem:s18], [sflag:$0x5], $0x5000, $0x38;
	[tilespmem:$0x16C00] =	vst v63  }
0x17f: {  	s0 =	rddreg [dreg:$0xb]  }
0x180: {  	[hbm4b:s0+s2] =	stream.linear.scatter [tilespmem:s19], [sflag:$0x5], $0x2800, $0x38;
	[tilespmem:$0x16C00] =	vst v63  }
0x181: {  	_ =	swait.ge [sflag:s9], $0x5000  }
0x182: {  	[sflag:s9] =	ssyncset.done $0x0  }
0x183: {  	[sflag:s9] =	ssyncadd.s32 $0xFFFFB000  }
0x184: {  	_ =	swait.ge [sflag:s9], $0x2800  }
0x185: {  	[sflag:s9] =	ssyncset.done $0x0  }
0x186: {  	s14 =	rddreg [dreg:$0xc];
	[sflag:s9] =	ssyncadd.s32 $0xFFFFD800  }
0x187: {  	[hbm4b:s14+s2] =	stream.linear.scatter [tilespmem:s30], [sflag:$0x6], $0x5000, $0x38;
	[tilespmem:$0x16C00] =	vst v63  }
0x188: {  	s0 =	rddreg [dreg:$0xd]  }
0x189: {  	[hbm4b:s0+s2] =	stream.linear.scatter [tilespmem:s6], [sflag:$0x6], $0x2800, $0x38;
	[tilespmem:$0x16C00] =	vst v63  }
0x18a: {  	_ =	swait.ge [sflag:s12], $0x5000  }
0x18b: {  	[sflag:s12] =	ssyncset.done $0x0  }
0x18c: {  	[sflag:s12] =	ssyncadd.s32 $0xFFFFB000  }
0x18d: {  	_ =	swait.ge [sflag:s12], $0x2800  }
0x18e: {  	[sflag:s12] =	ssyncset.done $0x0  }
0x18f: {  	[sflag:s12] =	ssyncadd.s32 $0xFFFFD800  }
0x190: {  	_ =	swait.ge [sflag:s8], $0x5000  }
0x191: {  	[sflag:s8] =	ssyncset.done $0x0  }
0x192: {  	[sflag:s8] =	ssyncadd.s32 $0xFFFFB000  }
0x193: {  	_ =	swait.ge [sflag:s8], $0x2800  }
0x194: {  	[sflag:s8] =	ssyncset.done $0x0  }
0x195: {  	[sflag:s8] =	ssyncadd.s32 $0xFFFFD800  }
0x196: {  	p0 =	sne.s32 s5, $0x1;
	_ =	swait.ge [sflag:s10], $0x5000  }
.Ltmp0:
0x197: {  	[sflag:s10] =	ssyncset.done $0x0;
	(pc) =	sbr.rel @p0 .LBB2_1-.Ltmp0, $4  }
0x198: {  	[sflag:s10] =	ssyncadd.s32 $0xFFFFB000  }
0x199: {  	_ =	swait.ge [sflag:s10], $0x2800  }
0x19a: {  	[sflag:s10] =	ssyncset.done $0x0  }
0x19b: {  	s5 =	sadd.s32 $0xFFFFFFFF, s5;
	[sflag:s10] =	ssyncadd.s32 $0xFFFFD800  }
0x19c: {  	_ =	sfence.sel $0x180000  }
0x19d: {  	[bflag:$0x0] =	sbarrier.arrive $0xFFFF  }
0x19e: {  	_ =	strace $0x90000047  }
0x19f: {  	s0 =	stileid.u32;
	[bflag:$0x2] =	sbarrier.arrive $0xFFFF  }
0x1a0: {  	p0 =	sne.s32 s0, $0x0;
	s0 =	rddreg [dreg:$0x2]  }
0x1a1: {  	s0 =	sadd.s32 @!p0 $0x100000, s0  }
0x1a2: {  	[sflag:s0] =	ssyncadd.tile.s32 @!p0 $0x1;
	_ =	shalt  }
.Lfunc_end2:
_tile_overlayer_lowered:
.L_overlay_start_2:
0x1a3: {  	(tag) =	ssettag $0x2  }
0x1a4: {  	s0 =	rddreg [dreg:$0x0];
	s2 =	stileid.u32  }
0x1a5: {  	s1 =	rddreg [dreg:$0x1];
	p0 =	sne.s32 s2, $0x0  }
0x1a6: {  	s3 =	rddreg [dreg:$0x2];
	[bflag:$0x3] =	sbarrier.arrive $0xFFFF;
	s2 =	simm.s32 @!p0 $0x1C08  }
0x1a7: {  	[timem:s3], [sflag:s2] =	dma.local @!p0 [hbm:s0], s1  }
0x1a8: {  	s0 =	simm.s32 @!p0 $0x8  }
0x1a9: {  	_ =	swait.ge @!p0 [sflag:s0], s1  }
0x1aa: {  	s1 =	ssub.s32 @!p0 $0x0, s1;
	[sflag:s0] =	ssyncset.done @!p0 $0x0  }
0x1ab: {  	[sflag:s0] =	ssyncadd.s32 @!p0 s1  }
0x1ac: {  	[bflag:$0x3] =	sbarrier.arrive $0xFFFF  }
0x1ad: {  	_ =	shalt  }

</sc_bundles>
